<compile_context>
chip_gen: v7x
topology: tpu7x:2x2x1
jax: 0.10.2.dev20260603
libtpu: 0.0.44.dev20260713+nightly
codegen_flags: <defaults>
</compile_context>

<pallas_src>
import functools

import jax
import jax.numpy as jnp
from jax import lax
from jax.experimental import pallas as pl
from jax.experimental.pallas import tpu as pltpu
from jax.experimental.pallas import tpu_sc as plsc

_BT = 1024


def _logits_block(x_ref, wc_ref, bc_ref, epsT_ref, noisyT_ref):
    E = epsT_ref.shape[0]
    accT = lax.dot_general(
        wc_ref[...], x_ref[...],
        dimension_numbers=(((1,), (1,)), ((), ())),
        preferred_element_type=jnp.float32,
    )
    accT = accT + bc_ref[...]
    logitsT = accT[:E, :]
    preT = accT[E:, :]
    noisyT_ref[...] = logitsT + epsT_ref[...] * jax.nn.softplus(preT)


def _tc_stage(x, wc, bc, epsT):
    T, D = x.shape
    E2 = wc.shape[0]
    E = E2 // 2
    return pl.pallas_call(
        _logits_block,
        grid=(T // _BT,),
        in_specs=[
            pl.BlockSpec((_BT, D), lambda i: (i, 0)),
            pl.BlockSpec((E2, D), lambda i: (0, 0)),
            pl.BlockSpec((E2, 1), lambda i: (0, 0)),
            pl.BlockSpec((E, _BT), lambda i: (0, i)),
        ],
        out_specs=pl.BlockSpec((E, _BT), lambda i: (0, i)),
        out_shape=jax.ShapeDtypeStruct((E, T), jnp.float32),
    )(x, wc, bc, epsT)


@functools.cache
def _sc_router(T, E):
    info = plsc.get_sparse_core_info()
    NW = info.num_cores * info.num_subcores
    L = info.num_lanes
    ntok = T // NW
    ngroups = ntok // L
    mesh = plsc.VectorSubcoreMesh(core_axis_name="c", subcore_axis_name="s")

    @functools.partial(
        pl.kernel,
        mesh=mesh,
        out_type=[
            jax.ShapeDtypeStruct((E, T), jnp.float32),
            jax.ShapeDtypeStruct((2, T), jnp.int32),
        ],
        scratch_types=[
            pltpu.VMEM((E, ntok), jnp.float32),
            pltpu.VMEM((E, ntok), jnp.float32),
            pltpu.VMEM((2, ntok), jnp.int32),
        ],
    )
    def route(noisyT_hbm, probsT_hbm, idxT_hbm, logits_v, probs_v, idx_v):
        wid = lax.axis_index("s") * info.num_cores + lax.axis_index("c")
        base = wid * ntok
        pltpu.sync_copy(noisyT_hbm.at[:, pl.ds(base, ntok)], logits_v)

        neg_inf = jnp.full((L,), -jnp.inf, jnp.float32)

        def group_body(g, carry):
            t0 = g * L
            m1 = neg_inf
            m2 = neg_inf
            i1 = jnp.zeros((L,), jnp.int32)
            i2 = jnp.zeros((L,), jnp.int32)
            for e in range(E):
                v = logits_v[e, pl.ds(t0, L)]
                ev = jnp.full((L,), e, jnp.int32)
                gt1 = v > m1
                gt2 = v > m2
                m2 = jnp.where(gt1, m1, jnp.where(gt2, v, m2))
                i2 = jnp.where(gt1, i1, jnp.where(gt2, ev, i2))
                m1 = jnp.where(gt1, v, m1)
                i1 = jnp.where(gt1, ev, i1)
            z = jnp.exp(m2 - m1)
            p1 = 1.0 / (1.0 + z)
            p2 = z * p1
            zero = jnp.zeros((L,), jnp.float32)
            for e in range(E):
                ev = jnp.full((L,), e, jnp.int32)
                probs_v[e, pl.ds(t0, L)] = jnp.where(
                    i1 == ev, p1, jnp.where(i2 == ev, p2, zero))
            idx_v[0, pl.ds(t0, L)] = i1
            idx_v[1, pl.ds(t0, L)] = i2
            return carry

        lax.fori_loop(0, ngroups, group_body, 0)
        pltpu.sync_copy(probs_v, probsT_hbm.at[:, pl.ds(base, ntok)])
        pltpu.sync_copy(idx_v, idxT_hbm.at[:, pl.ds(base, ntok)])

    return route


def kernel(hidden_states, W_route, b_route, W_noise, b_noise, eps):
    T, D = hidden_states.shape
    E = W_route.shape[0]
    wc = jnp.concatenate([W_route, W_noise], axis=0)
    bc = jnp.concatenate([b_route, b_noise]).reshape(2 * E, 1)
    epsT = eps.T
    noisyT = _tc_stage(hidden_states, wc, bc, epsT)
    probsT, idxT = _sc_router(T, E)(noisyT)
    return (probsT.T, idxT.T)

# --- scband reference (transcript-rebuilt; emitter-appended) ---
"""Pipeline reference for scband-noisy-top-krouter-44985487458588 (READ-ONLY COPY).

The authoritative reference and input builder live on the scoring server;
editing this copy changes nothing except your own understanding.
"""

import jax, jax.numpy as jnp
import numpy as np

T, D, E, K = 16384, 2048, 16, 2

def setup_inputs(seed: int = 0) -> dict:
    key = jax.random.key(seed)
    k1, k2, k3, k4, k5, k6 = jax.random.split(key, 6)
    hidden_states = jax.random.normal(k1, (T, D), dtype=jnp.float32)
    lim = 1.0 / np.sqrt(D)
    W_route = jax.random.uniform(k2, (E, D), dtype=jnp.float32, minval=-lim, maxval=lim)
    b_route = jax.random.uniform(k3, (E,), dtype=jnp.float32, minval=-lim, maxval=lim)
    W_noise = jax.random.uniform(k4, (E, D), dtype=jnp.float32, minval=-lim, maxval=lim)
    b_noise = jax.random.uniform(k5, (E,), dtype=jnp.float32, minval=-lim, maxval=lim)
    eps = jax.random.normal(k6, (T, E), dtype=jnp.float32)
    return {"hidden_states": hidden_states, "W_route": W_route, "b_route": b_route,
            "W_noise": W_noise, "b_noise": b_noise, "eps": eps}

def reference(hidden_states, W_route, b_route, W_noise, b_noise, eps):
    logits = hidden_states @ W_route.T + b_route
    noise_scale = jax.nn.softplus(hidden_states @ W_noise.T + b_noise)
    noisy_logits = logits + eps * noise_scale
    top_k_logits, top_k_indices = jax.lax.top_k(noisy_logits, K)
    rows = jnp.arange(noisy_logits.shape[0])[:, None]
    sparse_logits = jnp.full_like(noisy_logits, -jnp.inf).at[rows, top_k_indices].set(top_k_logits)
    probs = jax.nn.softmax(sparse_logits, axis=-1)
    return (probs, top_k_indices)

if __name__ == "__main__":
    import jax
    _d = setup_inputs()
    print(jax.jit(kernel)(*tuple(_d.values())))

</pallas_src>

<mosaic_0001>
#map = affine_map<(d0, d1) -> (0, 0)>
module attributes {stable_mosaic.version = 14 : i64} {
  func.func @route(%arg0: i32, %arg1: i32, %arg2: memref<16x16384xf32, #tpu.memory_space<hbm>>, %arg3: memref<16x16384xf32, #tpu.memory_space<hbm>>, %arg4: memref<2x16384xi32, #tpu.memory_space<hbm>>, %arg5: memref<16x512xf32, #tpu.memory_space<vmem>>, %arg6: memref<16x512xf32, #tpu.memory_space<vmem>>, %arg7: memref<2x512xi32, #tpu.memory_space<vmem>>) attributes {dimension_semantics = [#tpu.dimension_semantics<core_parallel>, #tpu.dimension_semantics<subcore_parallel>], iteration_bounds = array<i64: 2, 16>, scalar_prefetch = 0 : i64, scratch_operands = 3 : i64, tpu.core_type = #tpu.core_type<sc_vector_subcore>, window_params = [{transform_indices = #map}, {transform_indices = #map}, {transform_indices = #map}]} {
    %mul3A = arith.constant 2 : i32
    %mul3A_0 = arith.muli %arg1, %mul3A : i32
    %add3A = arith.addi %mul3A_0, %arg0 : i32
    %mul3A_1 = arith.constant 512 : i32
    %mul3A_2 = arith.muli %add3A, %mul3A_1 : i32
    "tpu.region"() ({
      %run_scoped3A = tpu.sem_alloc : memref<!tpu.dma_semaphore, #tpu.memory_space<semaphore_mem>>
      %dma_start3A = arith.constant 0 : i32
      %dma_start3A_9 = tpu.memref_slice %arg2[%dma_start3A, %mul3A_2] : memref<16x16384xf32, #tpu.memory_space<hbm>> -> memref<16x512xf32, #tpu.memory_space<hbm>>
      %dma_start3A_10 = arith.constant 0 : i32
      %dma_start3A_11 = tpu.memref_slice %arg2[%dma_start3A_10, %mul3A_2] : memref<16x16384xf32, #tpu.memory_space<hbm>> -> memref<16x512xf32, #tpu.memory_space<hbm>>
      tpu.enqueue_dma source(%dma_start3A_11 : memref<16x512xf32, #tpu.memory_space<hbm>>) target(%arg5 : memref<16x512xf32, #tpu.memory_space<vmem>>) target_semaphore(%run_scoped3A : memref<!tpu.dma_semaphore, #tpu.memory_space<semaphore_mem>>)
      %dma_wait3A = arith.constant 0 : i32
      %dma_wait3A_12 = tpu.memref_slice %arg2[%dma_wait3A, %mul3A_2] : memref<16x16384xf32, #tpu.memory_space<hbm>> -> memref<16x512xf32, #tpu.memory_space<hbm>>
      %dma_wait3A_13 = arith.constant 0 : i32
      %dma_wait3A_14 = tpu.memref_slice %arg2[%dma_wait3A_13, %mul3A_2] : memref<16x16384xf32, #tpu.memory_space<hbm>> -> memref<16x512xf32, #tpu.memory_space<hbm>>
      tpu.wait_dma2 semaphore(%run_scoped3A : memref<!tpu.dma_semaphore, #tpu.memory_space<semaphore_mem>>) src(%dma_wait3A_14 : memref<16x512xf32, #tpu.memory_space<hbm>>) dst(%arg5 : memref<16x512xf32, #tpu.memory_space<vmem>>)
      tpu.yield
    }) : () -> ()
    %broadcast_in_dim3A = arith.constant 0xFF800000 : f32
    %broadcast_in_dim3A_3 = vector.broadcast %broadcast_in_dim3A : f32 to vector<16xf32>
    %scan3A = arith.constant 0 : i32
    %scan3A_4 = arith.constant 0 : i32
    %scan3A_5 = arith.constant 32 : i32
    %scan3A_6 = arith.addi %scan3A_4, %scan3A_5 : i32
    %scan3A_7 = arith.constant 1 : i32
    scf.for %scan3A_9 = %scan3A_4 to %scan3A_6 step %scan3A_7  : i32 {
      %mul3A_10 = arith.constant 16 : i32
      %mul3A_11 = arith.muli %scan3A_9, %mul3A_10 : i32
      %broadcast_in_dim3A_12 = arith.constant 0 : i32
      %broadcast_in_dim3A_13 = vector.broadcast %broadcast_in_dim3A_12 : i32 to vector<16xi32>
      %broadcast_in_dim3A_14 = arith.constant 0 : i32
      %broadcast_in_dim3A_15 = vector.broadcast %broadcast_in_dim3A_14 : i32 to vector<16xi32>
      %get3A = arith.constant 0 : i32
      %get3A_16 = arith.index_cast %get3A : i32 to index
      %get3A_17 = arith.index_cast %mul3A_11 : i32 to index
      %get3A_18 = tpu.vector_load %arg5[%get3A_16, %get3A_17] {strides = array<i32>} : memref<16x512xf32, #tpu.memory_space<vmem>>, vector<1x16xf32>,
      %get3A_19 = vector.shape_cast %get3A_18 : vector<1x16xf32> to vector<16xf32>
      %broadcast_in_dim3A_20 = arith.constant 0 : i32
      %broadcast_in_dim3A_21 = vector.broadcast %broadcast_in_dim3A_20 : i32 to vector<16xi32>
      %gt3A = arith.cmpf ogt, %get3A_19, %broadcast_in_dim3A_3 : vector<16xf32>
      %gt3A_22 = arith.cmpf ogt, %get3A_19, %broadcast_in_dim3A_3 : vector<16xf32>
      %select_n3A = arith.select %gt3A_22, %get3A_19, %broadcast_in_dim3A_3 : vector<16xi1>, vector<16xf32>
      %select_n3A_23 = arith.select %gt3A, %broadcast_in_dim3A_3, %select_n3A : vector<16xi1>, vector<16xf32>
      %select_n3A_24 = arith.select %gt3A_22, %broadcast_in_dim3A_21, %broadcast_in_dim3A_15 : vector<16xi1>, vector<16xi32>
      %select_n3A_25 = arith.select %gt3A, %broadcast_in_dim3A_13, %select_n3A_24 : vector<16xi1>, vector<16xi32>
      %select_n3A_26 = arith.select %gt3A, %get3A_19, %broadcast_in_dim3A_3 : vector<16xi1>, vector<16xf32>
      %select_n3A_27 = arith.select %gt3A, %broadcast_in_dim3A_21, %broadcast_in_dim3A_13 : vector<16xi1>, vector<16xi32>
      %get3A_28 = arith.constant 1 : i32
      %get3A_29 = arith.index_cast %get3A_28 : i32 to index
      %get3A_30 = arith.index_cast %mul3A_11 : i32 to index
      %get3A_31 = tpu.vector_load %arg5[%get3A_29, %get3A_30] {strides = array<i32>} : memref<16x512xf32, #tpu.memory_space<vmem>>, vector<1x16xf32>,
      %get3A_32 = vector.shape_cast %get3A_31 : vector<1x16xf32> to vector<16xf32>
      %broadcast_in_dim3A_33 = arith.constant 1 : i32
      %broadcast_in_dim3A_34 = vector.broadcast %broadcast_in_dim3A_33 : i32 to vector<16xi32>
      %gt3A_35 = arith.cmpf ogt, %get3A_32, %select_n3A_26 : vector<16xf32>
      %gt3A_36 = arith.cmpf ogt, %get3A_32, %select_n3A_23 : vector<16xf32>
      %select_n3A_37 = arith.select %gt3A_36, %get3A_32, %select_n3A_23 : vector<16xi1>, vector<16xf32>
      %select_n3A_38 = arith.select %gt3A_35, %select_n3A_26, %select_n3A_37 : vector<16xi1>, vector<16xf32>
      %select_n3A_39 = arith.select %gt3A_36, %broadcast_in_dim3A_34, %select_n3A_25 : vector<16xi1>, vector<16xi32>
      %select_n3A_40 = arith.select %gt3A_35, %select_n3A_27, %select_n3A_39 : vector<16xi1>, vector<16xi32>
      %select_n3A_41 = arith.select %gt3A_35, %get3A_32, %select_n3A_26 : vector<16xi1>, vector<16xf32>
      %select_n3A_42 = arith.select %gt3A_35, %broadcast_in_dim3A_34, %select_n3A_27 : vector<16xi1>, vector<16xi32>
      %get3A_43 = arith.constant 2 : i32
      %get3A_44 = arith.index_cast %get3A_43 : i32 to index
      %get3A_45 = arith.index_cast %mul3A_11 : i32 to index
      %get3A_46 = tpu.vector_load %arg5[%get3A_44, %get3A_45] {strides = array<i32>} : memref<16x512xf32, #tpu.memory_space<vmem>>, vector<1x16xf32>,
      %get3A_47 = vector.shape_cast %get3A_46 : vector<1x16xf32> to vector<16xf32>
      %broadcast_in_dim3A_48 = arith.constant 2 : i32
      %broadcast_in_dim3A_49 = vector.broadcast %broadcast_in_dim3A_48 : i32 to vector<16xi32>
      %gt3A_50 = arith.cmpf ogt, %get3A_47, %select_n3A_41 : vector<16xf32>
      %gt3A_51 = arith.cmpf ogt, %get3A_47, %select_n3A_38 : vector<16xf32>
      %select_n3A_52 = arith.select %gt3A_51, %get3A_47, %select_n3A_38 : vector<16xi1>, vector<16xf32>
      %select_n3A_53 = arith.select %gt3A_50, %select_n3A_41, %select_n3A_52 : vector<16xi1>, vector<16xf32>
      %select_n3A_54 = arith.select %gt3A_51, %broadcast_in_dim3A_49, %select_n3A_40 : vector<16xi1>, vector<16xi32>
      %select_n3A_55 = arith.select %gt3A_50, %select_n3A_42, %select_n3A_54 : vector<16xi1>, vector<16xi32>
      %select_n3A_56 = arith.select %gt3A_50, %get3A_47, %select_n3A_41 : vector<16xi1>, vector<16xf32>
      %select_n3A_57 = arith.select %gt3A_50, %broadcast_in_dim3A_49, %select_n3A_42 : vector<16xi1>, vector<16xi32>
      %get3A_58 = arith.constant 3 : i32
      %get3A_59 = arith.index_cast %get3A_58 : i32 to index
      %get3A_60 = arith.index_cast %mul3A_11 : i32 to index
      %get3A_61 = tpu.vector_load %arg5[%get3A_59, %get3A_60] {strides = array<i32>} : memref<16x512xf32, #tpu.memory_space<vmem>>, vector<1x16xf32>,
      %get3A_62 = vector.shape_cast %get3A_61 : vector<1x16xf32> to vector<16xf32>
      %broadcast_in_dim3A_63 = arith.constant 3 : i32
      %broadcast_in_dim3A_64 = vector.broadcast %broadcast_in_dim3A_63 : i32 to vector<16xi32>
      %gt3A_65 = arith.cmpf ogt, %get3A_62, %select_n3A_56 : vector<16xf32>
      %gt3A_66 = arith.cmpf ogt, %get3A_62, %select_n3A_53 : vector<16xf32>
      %select_n3A_67 = arith.select %gt3A_66, %get3A_62, %select_n3A_53 : vector<16xi1>, vector<16xf32>
      %select_n3A_68 = arith.select %gt3A_65, %select_n3A_56, %select_n3A_67 : vector<16xi1>, vector<16xf32>
      %select_n3A_69 = arith.select %gt3A_66, %broadcast_in_dim3A_64, %select_n3A_55 : vector<16xi1>, vector<16xi32>
      %select_n3A_70 = arith.select %gt3A_65, %select_n3A_57, %select_n3A_69 : vector<16xi1>, vector<16xi32>
      %select_n3A_71 = arith.select %gt3A_65, %get3A_62, %select_n3A_56 : vector<16xi1>, vector<16xf32>
      %select_n3A_72 = arith.select %gt3A_65, %broadcast_in_dim3A_64, %select_n3A_57 : vector<16xi1>, vector<16xi32>
      %get3A_73 = arith.constant 4 : i32
      %get3A_74 = arith.index_cast %get3A_73 : i32 to index
      %get3A_75 = arith.index_cast %mul3A_11 : i32 to index
      %get3A_76 = tpu.vector_load %arg5[%get3A_74, %get3A_75] {strides = array<i32>} : memref<16x512xf32, #tpu.memory_space<vmem>>, vector<1x16xf32>,
      %get3A_77 = vector.shape_cast %get3A_76 : vector<1x16xf32> to vector<16xf32>
      %broadcast_in_dim3A_78 = arith.constant 4 : i32
      %broadcast_in_dim3A_79 = vector.broadcast %broadcast_in_dim3A_78 : i32 to vector<16xi32>
      %gt3A_80 = arith.cmpf ogt, %get3A_77, %select_n3A_71 : vector<16xf32>
      %gt3A_81 = arith.cmpf ogt, %get3A_77, %select_n3A_68 : vector<16xf32>
      %select_n3A_82 = arith.select %gt3A_81, %get3A_77, %select_n3A_68 : vector<16xi1>, vector<16xf32>
      %select_n3A_83 = arith.select %gt3A_80, %select_n3A_71, %select_n3A_82 : vector<16xi1>, vector<16xf32>
      %select_n3A_84 = arith.select %gt3A_81, %broadcast_in_dim3A_79, %select_n3A_70 : vector<16xi1>, vector<16xi32>
      %select_n3A_85 = arith.select %gt3A_80, %select_n3A_72, %select_n3A_84 : vector<16xi1>, vector<16xi32>
      %select_n3A_86 = arith.select %gt3A_80, %get3A_77, %select_n3A_71 : vector<16xi1>, vector<16xf32>
      %select_n3A_87 = arith.select %gt3A_80, %broadcast_in_dim3A_79, %select_n3A_72 : vector<16xi1>, vector<16xi32>
      %get3A_88 = arith.constant 5 : i32
      %get3A_89 = arith.index_cast %get3A_88 : i32 to index
      %get3A_90 = arith.index_cast %mul3A_11 : i32 to index
      %get3A_91 = tpu.vector_load %arg5[%get3A_89, %get3A_90] {strides = array<i32>} : memref<16x512xf32, #tpu.memory_space<vmem>>, vector<1x16xf32>,
      %get3A_92 = vector.shape_cast %get3A_91 : vector<1x16xf32> to vector<16xf32>
      %broadcast_in_dim3A_93 = arith.constant 5 : i32
      %broadcast_in_dim3A_94 = vector.broadcast %broadcast_in_dim3A_93 : i32 to vector<16xi32>
      %gt3A_95 = arith.cmpf ogt, %get3A_92, %select_n3A_86 : vector<16xf32>
      %gt3A_96 = arith.cmpf ogt, %get3A_92, %select_n3A_83 : vector<16xf32>
      %select_n3A_97 = arith.select %gt3A_96, %get3A_92, %select_n3A_83 : vector<16xi1>, vector<16xf32>
      %select_n3A_98 = arith.select %gt3A_95, %select_n3A_86, %select_n3A_97 : vector<16xi1>, vector<16xf32>
      %select_n3A_99 = arith.select %gt3A_96, %broadcast_in_dim3A_94, %select_n3A_85 : vector<16xi1>, vector<16xi32>
      %select_n3A_100 = arith.select %gt3A_95, %select_n3A_87, %select_n3A_99 : vector<16xi1>, vector<16xi32>
      %select_n3A_101 = arith.select %gt3A_95, %get3A_92, %select_n3A_86 : vector<16xi1>, vector<16xf32>
      %select_n3A_102 = arith.select %gt3A_95, %broadcast_in_dim3A_94, %select_n3A_87 : vector<16xi1>, vector<16xi32>
      %get3A_103 = arith.constant 6 : i32
      %get3A_104 = arith.index_cast %get3A_103 : i32 to index
      %get3A_105 = arith.index_cast %mul3A_11 : i32 to index
      %get3A_106 = tpu.vector_load %arg5[%get3A_104, %get3A_105] {strides = array<i32>} : memref<16x512xf32, #tpu.memory_space<vmem>>, vector<1x16xf32>,
      %get3A_107 = vector.shape_cast %get3A_106 : vector<1x16xf32> to vector<16xf32>
      %broadcast_in_dim3A_108 = arith.constant 6 : i32
      %broadcast_in_dim3A_109 = vector.broadcast %broadcast_in_dim3A_108 : i32 to vector<16xi32>
      %gt3A_110 = arith.cmpf ogt, %get3A_107, %select_n3A_101 : vector<16xf32>
      %gt3A_111 = arith.cmpf ogt, %get3A_107, %select_n3A_98 : vector<16xf32>
      %select_n3A_112 = arith.select %gt3A_111, %get3A_107, %select_n3A_98 : vector<16xi1>, vector<16xf32>
      %select_n3A_113 = arith.select %gt3A_110, %select_n3A_101, %select_n3A_112 : vector<16xi1>, vector<16xf32>
      %select_n3A_114 = arith.select %gt3A_111, %broadcast_in_dim3A_109, %select_n3A_100 : vector<16xi1>, vector<16xi32>
      %select_n3A_115 = arith.select %gt3A_110, %select_n3A_102, %select_n3A_114 : vector<16xi1>, vector<16xi32>
      %select_n3A_116 = arith.select %gt3A_110, %get3A_107, %select_n3A_101 : vector<16xi1>, vector<16xf32>
      %select_n3A_117 = arith.select %gt3A_110, %broadcast_in_dim3A_109, %select_n3A_102 : vector<16xi1>, vector<16xi32>
      %get3A_118 = arith.constant 7 : i32
      %get3A_119 = arith.index_cast %get3A_118 : i32 to index
      %get3A_120 = arith.index_cast %mul3A_11 : i32 to index
      %get3A_121 = tpu.vector_load %arg5[%get3A_119, %get3A_120] {strides = array<i32>} : memref<16x512xf32, #tpu.memory_space<vmem>>, vector<1x16xf32>,
      %get3A_122 = vector.shape_cast %get3A_121 : vector<1x16xf32> to vector<16xf32>
      %broadcast_in_dim3A_123 = arith.constant 7 : i32
      %broadcast_in_dim3A_124 = vector.broadcast %broadcast_in_dim3A_123 : i32 to vector<16xi32>
      %gt3A_125 = arith.cmpf ogt, %get3A_122, %select_n3A_116 : vector<16xf32>
      %gt3A_126 = arith.cmpf ogt, %get3A_122, %select_n3A_113 : vector<16xf32>
      %select_n3A_127 = arith.select %gt3A_126, %get3A_122, %select_n3A_113 : vector<16xi1>, vector<16xf32>
      %select_n3A_128 = arith.select %gt3A_125, %select_n3A_116, %select_n3A_127 : vector<16xi1>, vector<16xf32>
      %select_n3A_129 = arith.select %gt3A_126, %broadcast_in_dim3A_124, %select_n3A_115 : vector<16xi1>, vector<16xi32>
      %select_n3A_130 = arith.select %gt3A_125, %select_n3A_117, %select_n3A_129 : vector<16xi1>, vector<16xi32>
      %select_n3A_131 = arith.select %gt3A_125, %get3A_122, %select_n3A_116 : vector<16xi1>, vector<16xf32>
      %select_n3A_132 = arith.select %gt3A_125, %broadcast_in_dim3A_124, %select_n3A_117 : vector<16xi1>, vector<16xi32>
      %get3A_133 = arith.constant 8 : i32
      %get3A_134 = arith.index_cast %get3A_133 : i32 to index
      %get3A_135 = arith.index_cast %mul3A_11 : i32 to index
      %get3A_136 = tpu.vector_load %arg5[%get3A_134, %get3A_135] {strides = array<i32>} : memref<16x512xf32, #tpu.memory_space<vmem>>, vector<1x16xf32>,
      %get3A_137 = vector.shape_cast %get3A_136 : vector<1x16xf32> to vector<16xf32>
      %broadcast_in_dim3A_138 = arith.constant 8 : i32
      %broadcast_in_dim3A_139 = vector.broadcast %broadcast_in_dim3A_138 : i32 to vector<16xi32>
      %gt3A_140 = arith.cmpf ogt, %get3A_137, %select_n3A_131 : vector<16xf32>
      %gt3A_141 = arith.cmpf ogt, %get3A_137, %select_n3A_128 : vector<16xf32>
      %select_n3A_142 = arith.select %gt3A_141, %get3A_137, %select_n3A_128 : vector<16xi1>, vector<16xf32>
      %select_n3A_143 = arith.select %gt3A_140, %select_n3A_131, %select_n3A_142 : vector<16xi1>, vector<16xf32>
      %select_n3A_144 = arith.select %gt3A_141, %broadcast_in_dim3A_139, %select_n3A_130 : vector<16xi1>, vector<16xi32>
      %select_n3A_145 = arith.select %gt3A_140, %select_n3A_132, %select_n3A_144 : vector<16xi1>, vector<16xi32>
      %select_n3A_146 = arith.select %gt3A_140, %get3A_137, %select_n3A_131 : vector<16xi1>, vector<16xf32>
      %select_n3A_147 = arith.select %gt3A_140, %broadcast_in_dim3A_139, %select_n3A_132 : vector<16xi1>, vector<16xi32>
      %get3A_148 = arith.constant 9 : i32
      %get3A_149 = arith.index_cast %get3A_148 : i32 to index
      %get3A_150 = arith.index_cast %mul3A_11 : i32 to index
      %get3A_151 = tpu.vector_load %arg5[%get3A_149, %get3A_150] {strides = array<i32>} : memref<16x512xf32, #tpu.memory_space<vmem>>, vector<1x16xf32>,
      %get3A_152 = vector.shape_cast %get3A_151 : vector<1x16xf32> to vector<16xf32>
      %broadcast_in_dim3A_153 = arith.constant 9 : i32
      %broadcast_in_dim3A_154 = vector.broadcast %broadcast_in_dim3A_153 : i32 to vector<16xi32>
      %gt3A_155 = arith.cmpf ogt, %get3A_152, %select_n3A_146 : vector<16xf32>
      %gt3A_156 = arith.cmpf ogt, %get3A_152, %select_n3A_143 : vector<16xf32>
      %select_n3A_157 = arith.select %gt3A_156, %get3A_152, %select_n3A_143 : vector<16xi1>, vector<16xf32>
      %select_n3A_158 = arith.select %gt3A_155, %select_n3A_146, %select_n3A_157 : vector<16xi1>, vector<16xf32>
      %select_n3A_159 = arith.select %gt3A_156, %broadcast_in_dim3A_154, %select_n3A_145 : vector<16xi1>, vector<16xi32>
      %select_n3A_160 = arith.select %gt3A_155, %select_n3A_147, %select_n3A_159 : vector<16xi1>, vector<16xi32>
      %select_n3A_161 = arith.select %gt3A_155, %get3A_152, %select_n3A_146 : vector<16xi1>, vector<16xf32>
      %select_n3A_162 = arith.select %gt3A_155, %broadcast_in_dim3A_154, %select_n3A_147 : vector<16xi1>, vector<16xi32>
      %get3A_163 = arith.constant 10 : i32
      %get3A_164 = arith.index_cast %get3A_163 : i32 to index
      %get3A_165 = arith.index_cast %mul3A_11 : i32 to index
      %get3A_166 = tpu.vector_load %arg5[%get3A_164, %get3A_165] {strides = array<i32>} : memref<16x512xf32, #tpu.memory_space<vmem>>, vector<1x16xf32>,
      %get3A_167 = vector.shape_cast %get3A_166 : vector<1x16xf32> to vector<16xf32>
      %broadcast_in_dim3A_168 = arith.constant 10 : i32
      %broadcast_in_dim3A_169 = vector.broadcast %broadcast_in_dim3A_168 : i32 to vector<16xi32>
      %gt3A_170 = arith.cmpf ogt, %get3A_167, %select_n3A_161 : vector<16xf32>
      %gt3A_171 = arith.cmpf ogt, %get3A_167, %select_n3A_158 : vector<16xf32>
      %select_n3A_172 = arith.select %gt3A_171, %get3A_167, %select_n3A_158 : vector<16xi1>, vector<16xf32>
      %select_n3A_173 = arith.select %gt3A_170, %select_n3A_161, %select_n3A_172 : vector<16xi1>, vector<16xf32>
      %select_n3A_174 = arith.select %gt3A_171, %broadcast_in_dim3A_169, %select_n3A_160 : vector<16xi1>, vector<16xi32>
      %select_n3A_175 = arith.select %gt3A_170, %select_n3A_162, %select_n3A_174 : vector<16xi1>, vector<16xi32>
      %select_n3A_176 = arith.select %gt3A_170, %get3A_167, %select_n3A_161 : vector<16xi1>, vector<16xf32>
      %select_n3A_177 = arith.select %gt3A_170, %broadcast_in_dim3A_169, %select_n3A_162 : vector<16xi1>, vector<16xi32>
      %get3A_178 = arith.constant 11 : i32
      %get3A_179 = arith.index_cast %get3A_178 : i32 to index
      %get3A_180 = arith.index_cast %mul3A_11 : i32 to index
      %get3A_181 = tpu.vector_load %arg5[%get3A_179, %get3A_180] {strides = array<i32>} : memref<16x512xf32, #tpu.memory_space<vmem>>, vector<1x16xf32>,
      %get3A_182 = vector.shape_cast %get3A_181 : vector<1x16xf32> to vector<16xf32>
      %broadcast_in_dim3A_183 = arith.constant 11 : i32
      %broadcast_in_dim3A_184 = vector.broadcast %broadcast_in_dim3A_183 : i32 to vector<16xi32>
      %gt3A_185 = arith.cmpf ogt, %get3A_182, %select_n3A_176 : vector<16xf32>
      %gt3A_186 = arith.cmpf ogt, %get3A_182, %select_n3A_173 : vector<16xf32>
      %select_n3A_187 = arith.select %gt3A_186, %get3A_182, %select_n3A_173 : vector<16xi1>, vector<16xf32>
      %select_n3A_188 = arith.select %gt3A_185, %select_n3A_176, %select_n3A_187 : vector<16xi1>, vector<16xf32>
      %select_n3A_189 = arith.select %gt3A_186, %broadcast_in_dim3A_184, %select_n3A_175 : vector<16xi1>, vector<16xi32>
      %select_n3A_190 = arith.select %gt3A_185, %select_n3A_177, %select_n3A_189 : vector<16xi1>, vector<16xi32>
      %select_n3A_191 = arith.select %gt3A_185, %get3A_182, %select_n3A_176 : vector<16xi1>, vector<16xf32>
      %select_n3A_192 = arith.select %gt3A_185, %broadcast_in_dim3A_184, %select_n3A_177 : vector<16xi1>, vector<16xi32>
      %get3A_193 = arith.constant 12 : i32
      %get3A_194 = arith.index_cast %get3A_193 : i32 to index
      %get3A_195 = arith.index_cast %mul3A_11 : i32 to index
      %get3A_196 = tpu.vector_load %arg5[%get3A_194, %get3A_195] {strides = array<i32>} : memref<16x512xf32, #tpu.memory_space<vmem>>, vector<1x16xf32>,
      %get3A_197 = vector.shape_cast %get3A_196 : vector<1x16xf32> to vector<16xf32>
      %broadcast_in_dim3A_198 = arith.constant 12 : i32
      %broadcast_in_dim3A_199 = vector.broadcast %broadcast_in_dim3A_198 : i32 to vector<16xi32>
      %gt3A_200 = arith.cmpf ogt, %get3A_197, %select_n3A_191 : vector<16xf32>
      %gt3A_201 = arith.cmpf ogt, %get3A_197, %select_n3A_188 : vector<16xf32>
      %select_n3A_202 = arith.select %gt3A_201, %get3A_197, %select_n3A_188 : vector<16xi1>, vector<16xf32>
      %select_n3A_203 = arith.select %gt3A_200, %select_n3A_191, %select_n3A_202 : vector<16xi1>, vector<16xf32>
      %select_n3A_204 = arith.select %gt3A_201, %broadcast_in_dim3A_199, %select_n3A_190 : vector<16xi1>, vector<16xi32>
      %select_n3A_205 = arith.select %gt3A_200, %select_n3A_192, %select_n3A_204 : vector<16xi1>, vector<16xi32>
      %select_n3A_206 = arith.select %gt3A_200, %get3A_197, %select_n3A_191 : vector<16xi1>, vector<16xf32>
      %select_n3A_207 = arith.select %gt3A_200, %broadcast_in_dim3A_199, %select_n3A_192 : vector<16xi1>, vector<16xi32>
      %get3A_208 = arith.constant 13 : i32
      %get3A_209 = arith.index_cast %get3A_208 : i32 to index
      %get3A_210 = arith.index_cast %mul3A_11 : i32 to index
      %get3A_211 = tpu.vector_load %arg5[%get3A_209, %get3A_210] {strides = array<i32>} : memref<16x512xf32, #tpu.memory_space<vmem>>, vector<1x16xf32>,
      %get3A_212 = vector.shape_cast %get3A_211 : vector<1x16xf32> to vector<16xf32>
      %broadcast_in_dim3A_213 = arith.constant 13 : i32
      %broadcast_in_dim3A_214 = vector.broadcast %broadcast_in_dim3A_213 : i32 to vector<16xi32>
      %gt3A_215 = arith.cmpf ogt, %get3A_212, %select_n3A_206 : vector<16xf32>
      %gt3A_216 = arith.cmpf ogt, %get3A_212, %select_n3A_203 : vector<16xf32>
      %select_n3A_217 = arith.select %gt3A_216, %get3A_212, %select_n3A_203 : vector<16xi1>, vector<16xf32>
      %select_n3A_218 = arith.select %gt3A_215, %select_n3A_206, %select_n3A_217 : vector<16xi1>, vector<16xf32>
      %select_n3A_219 = arith.select %gt3A_216, %broadcast_in_dim3A_214, %select_n3A_205 : vector<16xi1>, vector<16xi32>
      %select_n3A_220 = arith.select %gt3A_215, %select_n3A_207, %select_n3A_219 : vector<16xi1>, vector<16xi32>
      %select_n3A_221 = arith.select %gt3A_215, %get3A_212, %select_n3A_206 : vector<16xi1>, vector<16xf32>
      %select_n3A_222 = arith.select %gt3A_215, %broadcast_in_dim3A_214, %select_n3A_207 : vector<16xi1>, vector<16xi32>
      %get3A_223 = arith.constant 14 : i32
      %get3A_224 = arith.index_cast %get3A_223 : i32 to index
      %get3A_225 = arith.index_cast %mul3A_11 : i32 to index
      %get3A_226 = tpu.vector_load %arg5[%get3A_224, %get3A_225] {strides = array<i32>} : memref<16x512xf32, #tpu.memory_space<vmem>>, vector<1x16xf32>,
      %get3A_227 = vector.shape_cast %get3A_226 : vector<1x16xf32> to vector<16xf32>
      %broadcast_in_dim3A_228 = arith.constant 14 : i32
      %broadcast_in_dim3A_229 = vector.broadcast %broadcast_in_dim3A_228 : i32 to vector<16xi32>
      %gt3A_230 = arith.cmpf ogt, %get3A_227, %select_n3A_221 : vector<16xf32>
      %gt3A_231 = arith.cmpf ogt, %get3A_227, %select_n3A_218 : vector<16xf32>
      %select_n3A_232 = arith.select %gt3A_231, %get3A_227, %select_n3A_218 : vector<16xi1>, vector<16xf32>
      %select_n3A_233 = arith.select %gt3A_230, %select_n3A_221, %select_n3A_232 : vector<16xi1>, vector<16xf32>
      %select_n3A_234 = arith.select %gt3A_231, %broadcast_in_dim3A_229, %select_n3A_220 : vector<16xi1>, vector<16xi32>
      %select_n3A_235 = arith.select %gt3A_230, %select_n3A_222, %select_n3A_234 : vector<16xi1>, vector<16xi32>
      %select_n3A_236 = arith.select %gt3A_230, %get3A_227, %select_n3A_221 : vector<16xi1>, vector<16xf32>
      %select_n3A_237 = arith.select %gt3A_230, %broadcast_in_dim3A_229, %select_n3A_222 : vector<16xi1>, vector<16xi32>
      %get3A_238 = arith.constant 15 : i32
      %get3A_239 = arith.index_cast %get3A_238 : i32 to index
      %get3A_240 = arith.index_cast %mul3A_11 : i32 to index
      %get3A_241 = tpu.vector_load %arg5[%get3A_239, %get3A_240] {strides = array<i32>} : memref<16x512xf32, #tpu.memory_space<vmem>>, vector<1x16xf32>,
      %get3A_242 = vector.shape_cast %get3A_241 : vector<1x16xf32> to vector<16xf32>
      %broadcast_in_dim3A_243 = arith.constant 15 : i32
      %broadcast_in_dim3A_244 = vector.broadcast %broadcast_in_dim3A_243 : i32 to vector<16xi32>
      %gt3A_245 = arith.cmpf ogt, %get3A_242, %select_n3A_236 : vector<16xf32>
      %gt3A_246 = arith.cmpf ogt, %get3A_242, %select_n3A_233 : vector<16xf32>
      %select_n3A_247 = arith.select %gt3A_246, %get3A_242, %select_n3A_233 : vector<16xi1>, vector<16xf32>
      %select_n3A_248 = arith.select %gt3A_245, %select_n3A_236, %select_n3A_247 : vector<16xi1>, vector<16xf32>
      %select_n3A_249 = arith.select %gt3A_246, %broadcast_in_dim3A_244, %select_n3A_235 : vector<16xi1>, vector<16xi32>
      %select_n3A_250 = arith.select %gt3A_245, %select_n3A_237, %select_n3A_249 : vector<16xi1>, vector<16xi32>
      %select_n3A_251 = arith.select %gt3A_245, %get3A_242, %select_n3A_236 : vector<16xi1>, vector<16xf32>
      %select_n3A_252 = arith.select %gt3A_245, %broadcast_in_dim3A_244, %select_n3A_237 : vector<16xi1>, vector<16xi32>
      %sub3A = arith.subf %select_n3A_248, %select_n3A_251 : vector<16xf32>
      %exp3A = math.exp %sub3A : vector<16xf32>
      %add3A_253 = arith.constant 1.000000e+00 : f32
      %add3A_254 = vector.broadcast %add3A_253 : f32 to vector<16xf32>
      %add3A_255 = arith.addf %add3A_254, %exp3A : vector<16xf32>
      %div3A = arith.constant 1.000000e+00 : f32
      %div3A_256 = vector.broadcast %div3A : f32 to vector<16xf32>
      %div3A_257 = arith.divf %div3A_256, %add3A_255 : vector<16xf32>
      %mul3A_258 = arith.mulf %exp3A, %div3A_257 : vector<16xf32>
      %broadcast_in_dim3A_259 = arith.constant 0.000000e+00 : f32
      %broadcast_in_dim3A_260 = vector.broadcast %broadcast_in_dim3A_259 : f32 to vector<16xf32>
      %broadcast_in_dim3A_261 = arith.constant 0 : i32
      %broadcast_in_dim3A_262 = vector.broadcast %broadcast_in_dim3A_261 : i32 to vector<16xi32>
      %eq3A = arith.cmpi eq, %select_n3A_252, %broadcast_in_dim3A_262 : vector<16xi32>
      %eq3A_263 = arith.cmpi eq, %select_n3A_250, %broadcast_in_dim3A_262 : vector<16xi32>
      %select_n3A_264 = arith.select %eq3A_263, %mul3A_258, %broadcast_in_dim3A_260 : vector<16xi1>, vector<16xf32>
      %select_n3A_265 = arith.select %eq3A, %div3A_257, %select_n3A_264 : vector<16xi1>, vector<16xf32>
      %swap3A = arith.constant 0 : i32
      %swap3A_266 = arith.index_cast %swap3A : i32 to index
      %swap3A_267 = arith.index_cast %mul3A_11 : i32 to index
      %swap3A_268 = tpu.vector_load %arg6[%swap3A_266, %swap3A_267] {strides = array<i32>} : memref<16x512xf32, #tpu.memory_space<vmem>>, vector<1x16xf32>,
      %swap3A_269 = vector.shape_cast %swap3A_268 : vector<1x16xf32> to vector<16xf32>
      %swap3A_270 = vector.shape_cast %select_n3A_265 : vector<16xf32> to vector<1x16xf32>
      tpu.vector_store %arg6[%swap3A_266, %swap3A_267], %swap3A_270 {strides = array<i32>} : memref<16x512xf32, #tpu.memory_space<vmem>>, vector<1x16xf32>,
      %broadcast_in_dim3A_271 = arith.constant 1 : i32
      %broadcast_in_dim3A_272 = vector.broadcast %broadcast_in_dim3A_271 : i32 to vector<16xi32>
      %eq3A_273 = arith.cmpi eq, %select_n3A_252, %broadcast_in_dim3A_272 : vector<16xi32>
      %eq3A_274 = arith.cmpi eq, %select_n3A_250, %broadcast_in_dim3A_272 : vector<16xi32>
      %select_n3A_275 = arith.select %eq3A_274, %mul3A_258, %broadcast_in_dim3A_260 : vector<16xi1>, vector<16xf32>
      %select_n3A_276 = arith.select %eq3A_273, %div3A_257, %select_n3A_275 : vector<16xi1>, vector<16xf32>
      %swap3A_277 = arith.constant 1 : i32
      %swap3A_278 = arith.index_cast %swap3A_277 : i32 to index
      %swap3A_279 = arith.index_cast %mul3A_11 : i32 to index
      %swap3A_280 = tpu.vector_load %arg6[%swap3A_278, %swap3A_279] {strides = array<i32>} : memref<16x512xf32, #tpu.memory_space<vmem>>, vector<1x16xf32>,
      %swap3A_281 = vector.shape_cast %swap3A_280 : vector<1x16xf32> to vector<16xf32>
      %swap3A_282 = vector.shape_cast %select_n3A_276 : vector<16xf32> to vector<1x16xf32>
      tpu.vector_store %arg6[%swap3A_278, %swap3A_279], %swap3A_282 {strides = array<i32>} : memref<16x512xf32, #tpu.memory_space<vmem>>, vector<1x16xf32>,
      %broadcast_in_dim3A_283 = arith.constant 2 : i32
      %broadcast_in_dim3A_284 = vector.broadcast %broadcast_in_dim3A_283 : i32 to vector<16xi32>
      %eq3A_285 = arith.cmpi eq, %select_n3A_252, %broadcast_in_dim3A_284 : vector<16xi32>
      %eq3A_286 = arith.cmpi eq, %select_n3A_250, %broadcast_in_dim3A_284 : vector<16xi32>
      %select_n3A_287 = arith.select %eq3A_286, %mul3A_258, %broadcast_in_dim3A_260 : vector<16xi1>, vector<16xf32>
      %select_n3A_288 = arith.select %eq3A_285, %div3A_257, %select_n3A_287 : vector<16xi1>, vector<16xf32>
      %swap3A_289 = arith.constant 2 : i32
      %swap3A_290 = arith.index_cast %swap3A_289 : i32 to index
      %swap3A_291 = arith.index_cast %mul3A_11 : i32 to index
      %swap3A_292 = tpu.vector_load %arg6[%swap3A_290, %swap3A_291] {strides = array<i32>} : memref<16x512xf32, #tpu.memory_space<vmem>>, vector<1x16xf32>,
      %swap3A_293 = vector.shape_cast %swap3A_292 : vector<1x16xf32> to vector<16xf32>
      %swap3A_294 = vector.shape_cast %select_n3A_288 : vector<16xf32> to vector<1x16xf32>
      tpu.vector_store %arg6[%swap3A_290, %swap3A_291], %swap3A_294 {strides = array<i32>} : memref<16x512xf32, #tpu.memory_space<vmem>>, vector<1x16xf32>,
      %broadcast_in_dim3A_295 = arith.constant 3 : i32
      %broadcast_in_dim3A_296 = vector.broadcast %broadcast_in_dim3A_295 : i32 to vector<16xi32>
      %eq3A_297 = arith.cmpi eq, %select_n3A_252, %broadcast_in_dim3A_296 : vector<16xi32>
      %eq3A_298 = arith.cmpi eq, %select_n3A_250, %broadcast_in_dim3A_296 : vector<16xi32>
      %select_n3A_299 = arith.select %eq3A_298, %mul3A_258, %broadcast_in_dim3A_260 : vector<16xi1>, vector<16xf32>
      %select_n3A_300 = arith.select %eq3A_297, %div3A_257, %select_n3A_299 : vector<16xi1>, vector<16xf32>
      %swap3A_301 = arith.constant 3 : i32
      %swap3A_302 = arith.index_cast %swap3A_301 : i32 to index
      %swap3A_303 = arith.index_cast %mul3A_11 : i32 to index
      %swap3A_304 = tpu.vector_load %arg6[%swap3A_302, %swap3A_303] {strides = array<i32>} : memref<16x512xf32, #tpu.memory_space<vmem>>, vector<1x16xf32>,
      %swap3A_305 = vector.shape_cast %swap3A_304 : vector<1x16xf32> to vector<16xf32>
      %swap3A_306 = vector.shape_cast %select_n3A_300 : vector<16xf32> to vector<1x16xf32>
      tpu.vector_store %arg6[%swap3A_302, %swap3A_303], %swap3A_306 {strides = array<i32>} : memref<16x512xf32, #tpu.memory_space<vmem>>, vector<1x16xf32>,
      %broadcast_in_dim3A_307 = arith.constant 4 : i32
      %broadcast_in_dim3A_308 = vector.broadcast %broadcast_in_dim3A_307 : i32 to vector<16xi32>
      %eq3A_309 = arith.cmpi eq, %select_n3A_252, %broadcast_in_dim3A_308 : vector<16xi32>
      %eq3A_310 = arith.cmpi eq, %select_n3A_250, %broadcast_in_dim3A_308 : vector<16xi32>
      %select_n3A_311 = arith.select %eq3A_310, %mul3A_258, %broadcast_in_dim3A_260 : vector<16xi1>, vector<16xf32>
      %select_n3A_312 = arith.select %eq3A_309, %div3A_257, %select_n3A_311 : vector<16xi1>, vector<16xf32>
      %swap3A_313 = arith.constant 4 : i32
      %swap3A_314 = arith.index_cast %swap3A_313 : i32 to index
      %swap3A_315 = arith.index_cast %mul3A_11 : i32 to index
      %swap3A_316 = tpu.vector_load %arg6[%swap3A_314, %swap3A_315] {strides = array<i32>} : memref<16x512xf32, #tpu.memory_space<vmem>>, vector<1x16xf32>,
      %swap3A_317 = vector.shape_cast %swap3A_316 : vector<1x16xf32> to vector<16xf32>
      %swap3A_318 = vector.shape_cast %select_n3A_312 : vector<16xf32> to vector<1x16xf32>
      tpu.vector_store %arg6[%swap3A_314, %swap3A_315], %swap3A_318 {strides = array<i32>} : memref<16x512xf32, #tpu.memory_space<vmem>>, vector<1x16xf32>,
      %broadcast_in_dim3A_319 = arith.constant 5 : i32
      %broadcast_in_dim3A_320 = vector.broadcast %broadcast_in_dim3A_319 : i32 to vector<16xi32>
      %eq3A_321 = arith.cmpi eq, %select_n3A_252, %broadcast_in_dim3A_320 : vector<16xi32>
      %eq3A_322 = arith.cmpi eq, %select_n3A_250, %broadcast_in_dim3A_320 : vector<16xi32>
      %select_n3A_323 = arith.select %eq3A_322, %mul3A_258, %broadcast_in_dim3A_260 : vector<16xi1>, vector<16xf32>
      %select_n3A_324 = arith.select %eq3A_321, %div3A_257, %select_n3A_323 : vector<16xi1>, vector<16xf32>
      %swap3A_325 = arith.constant 5 : i32
      %swap3A_326 = arith.index_cast %swap3A_325 : i32 to index
      %swap3A_327 = arith.index_cast %mul3A_11 : i32 to index
      %swap3A_328 = tpu.vector_load %arg6[%swap3A_326, %swap3A_327] {strides = array<i32>} : memref<16x512xf32, #tpu.memory_space<vmem>>, vector<1x16xf32>,
      %swap3A_329 = vector.shape_cast %swap3A_328 : vector<1x16xf32> to vector<16xf32>
      %swap3A_330 = vector.shape_cast %select_n3A_324 : vector<16xf32> to vector<1x16xf32>
      tpu.vector_store %arg6[%swap3A_326, %swap3A_327], %swap3A_330 {strides = array<i32>} : memref<16x512xf32, #tpu.memory_space<vmem>>, vector<1x16xf32>,
      %broadcast_in_dim3A_331 = arith.constant 6 : i32
      %broadcast_in_dim3A_332 = vector.broadcast %broadcast_in_dim3A_331 : i32 to vector<16xi32>
      %eq3A_333 = arith.cmpi eq, %select_n3A_252, %broadcast_in_dim3A_332 : vector<16xi32>
      %eq3A_334 = arith.cmpi eq, %select_n3A_250, %broadcast_in_dim3A_332 : vector<16xi32>
      %select_n3A_335 = arith.select %eq3A_334, %mul3A_258, %broadcast_in_dim3A_260 : vector<16xi1>, vector<16xf32>
      %select_n3A_336 = arith.select %eq3A_333, %div3A_257, %select_n3A_335 : vector<16xi1>, vector<16xf32>
      %swap3A_337 = arith.constant 6 : i32
      %swap3A_338 = arith.index_cast %swap3A_337 : i32 to index
      %swap3A_339 = arith.index_cast %mul3A_11 : i32 to index
      %swap3A_340 = tpu.vector_load %arg6[%swap3A_338, %swap3A_339] {strides = array<i32>} : memref<16x512xf32, #tpu.memory_space<vmem>>, vector<1x16xf32>,
      %swap3A_341 = vector.shape_cast %swap3A_340 : vector<1x16xf32> to vector<16xf32>
      %swap3A_342 = vector.shape_cast %select_n3A_336 : vector<16xf32> to vector<1x16xf32>
      tpu.vector_store %arg6[%swap3A_338, %swap3A_339], %swap3A_342 {strides = array<i32>} : memref<16x512xf32, #tpu.memory_space<vmem>>, vector<1x16xf32>,
      %broadcast_in_dim3A_343 = arith.constant 7 : i32
      %broadcast_in_dim3A_344 = vector.broadcast %broadcast_in_dim3A_343 : i32 to vector<16xi32>
      %eq3A_345 = arith.cmpi eq, %select_n3A_252, %broadcast_in_dim3A_344 : vector<16xi32>
      %eq3A_346 = arith.cmpi eq, %select_n3A_250, %broadcast_in_dim3A_344 : vector<16xi32>
      %select_n3A_347 = arith.select %eq3A_346, %mul3A_258, %broadcast_in_dim3A_260 : vector<16xi1>, vector<16xf32>
      %select_n3A_348 = arith.select %eq3A_345, %div3A_257, %select_n3A_347 : vector<16xi1>, vector<16xf32>
      %swap3A_349 = arith.constant 7 : i32
      %swap3A_350 = arith.index_cast %swap3A_349 : i32 to index
      %swap3A_351 = arith.index_cast %mul3A_11 : i32 to index
      %swap3A_352 = tpu.vector_load %arg6[%swap3A_350, %swap3A_351] {strides = array<i32>} : memref<16x512xf32, #tpu.memory_space<vmem>>, vector<1x16xf32>,
      %swap3A_353 = vector.shape_cast %swap3A_352 : vector<1x16xf32> to vector<16xf32>
      %swap3A_354 = vector.shape_cast %select_n3A_348 : vector<16xf32> to vector<1x16xf32>
      tpu.vector_store %arg6[%swap3A_350, %swap3A_351], %swap3A_354 {strides = array<i32>} : memref<16x512xf32, #tpu.memory_space<vmem>>, vector<1x16xf32>,
      %broadcast_in_dim3A_355 = arith.constant 8 : i32
      %broadcast_in_dim3A_356 = vector.broadcast %broadcast_in_dim3A_355 : i32 to vector<16xi32>
      %eq3A_357 = arith.cmpi eq, %select_n3A_252, %broadcast_in_dim3A_356 : vector<16xi32>
      %eq3A_358 = arith.cmpi eq, %select_n3A_250, %broadcast_in_dim3A_356 : vector<16xi32>
      %select_n3A_359 = arith.select %eq3A_358, %mul3A_258, %broadcast_in_dim3A_260 : vector<16xi1>, vector<16xf32>
      %select_n3A_360 = arith.select %eq3A_357, %div3A_257, %select_n3A_359 : vector<16xi1>, vector<16xf32>
      %swap3A_361 = arith.constant 8 : i32
      %swap3A_362 = arith.index_cast %swap3A_361 : i32 to index
      %swap3A_363 = arith.index_cast %mul3A_11 : i32 to index
      %swap3A_364 = tpu.vector_load %arg6[%swap3A_362, %swap3A_363] {strides = array<i32>} : memref<16x512xf32, #tpu.memory_space<vmem>>, vector<1x16xf32>,
      %swap3A_365 = vector.shape_cast %swap3A_364 : vector<1x16xf32> to vector<16xf32>
      %swap3A_366 = vector.shape_cast %select_n3A_360 : vector<16xf32> to vector<1x16xf32>
      tpu.vector_store %arg6[%swap3A_362, %swap3A_363], %swap3A_366 {strides = array<i32>} : memref<16x512xf32, #tpu.memory_space<vmem>>, vector<1x16xf32>,
      %broadcast_in_dim3A_367 = arith.constant 9 : i32
      %broadcast_in_dim3A_368 = vector.broadcast %broadcast_in_dim3A_367 : i32 to vector<16xi32>
      %eq3A_369 = arith.cmpi eq, %select_n3A_252, %broadcast_in_dim3A_368 : vector<16xi32>
      %eq3A_370 = arith.cmpi eq, %select_n3A_250, %broadcast_in_dim3A_368 : vector<16xi32>
      %select_n3A_371 = arith.select %eq3A_370, %mul3A_258, %broadcast_in_dim3A_260 : vector<16xi1>, vector<16xf32>
      %select_n3A_372 = arith.select %eq3A_369, %div3A_257, %select_n3A_371 : vector<16xi1>, vector<16xf32>
      %swap3A_373 = arith.constant 9 : i32
      %swap3A_374 = arith.index_cast %swap3A_373 : i32 to index
      %swap3A_375 = arith.index_cast %mul3A_11 : i32 to index
      %swap3A_376 = tpu.vector_load %arg6[%swap3A_374, %swap3A_375] {strides = array<i32>} : memref<16x512xf32, #tpu.memory_space<vmem>>, vector<1x16xf32>,
      %swap3A_377 = vector.shape_cast %swap3A_376 : vector<1x16xf32> to vector<16xf32>
      %swap3A_378 = vector.shape_cast %select_n3A_372 : vector<16xf32> to vector<1x16xf32>
      tpu.vector_store %arg6[%swap3A_374, %swap3A_375], %swap3A_378 {strides = array<i32>} : memref<16x512xf32, #tpu.memory_space<vmem>>, vector<1x16xf32>,
      %broadcast_in_dim3A_379 = arith.constant 10 : i32
      %broadcast_in_dim3A_380 = vector.broadcast %broadcast_in_dim3A_379 : i32 to vector<16xi32>
      %eq3A_381 = arith.cmpi eq, %select_n3A_252, %broadcast_in_dim3A_380 : vector<16xi32>
      %eq3A_382 = arith.cmpi eq, %select_n3A_250, %broadcast_in_dim3A_380 : vector<16xi32>
      %select_n3A_383 = arith.select %eq3A_382, %mul3A_258, %broadcast_in_dim3A_260 : vector<16xi1>, vector<16xf32>
      %select_n3A_384 = arith.select %eq3A_381, %div3A_257, %select_n3A_383 : vector<16xi1>, vector<16xf32>
      %swap3A_385 = arith.constant 10 : i32
      %swap3A_386 = arith.index_cast %swap3A_385 : i32 to index
      %swap3A_387 = arith.index_cast %mul3A_11 : i32 to index
      %swap3A_388 = tpu.vector_load %arg6[%swap3A_386, %swap3A_387] {strides = array<i32>} : memref<16x512xf32, #tpu.memory_space<vmem>>, vector<1x16xf32>,
      %swap3A_389 = vector.shape_cast %swap3A_388 : vector<1x16xf32> to vector<16xf32>
      %swap3A_390 = vector.shape_cast %select_n3A_384 : vector<16xf32> to vector<1x16xf32>
      tpu.vector_store %arg6[%swap3A_386, %swap3A_387], %swap3A_390 {strides = array<i32>} : memref<16x512xf32, #tpu.memory_space<vmem>>, vector<1x16xf32>,
      %broadcast_in_dim3A_391 = arith.constant 11 : i32
      %broadcast_in_dim3A_392 = vector.broadcast %broadcast_in_dim3A_391 : i32 to vector<16xi32>
      %eq3A_393 = arith.cmpi eq, %select_n3A_252, %broadcast_in_dim3A_392 : vector<16xi32>
      %eq3A_394 = arith.cmpi eq, %select_n3A_250, %broadcast_in_dim3A_392 : vector<16xi32>
      %select_n3A_395 = arith.select %eq3A_394, %mul3A_258, %broadcast_in_dim3A_260 : vector<16xi1>, vector<16xf32>
      %select_n3A_396 = arith.select %eq3A_393, %div3A_257, %select_n3A_395 : vector<16xi1>, vector<16xf32>
      %swap3A_397 = arith.constant 11 : i32
      %swap3A_398 = arith.index_cast %swap3A_397 : i32 to index
      %swap3A_399 = arith.index_cast %mul3A_11 : i32 to index
      %swap3A_400 = tpu.vector_load %arg6[%swap3A_398, %swap3A_399] {strides = array<i32>} : memref<16x512xf32, #tpu.memory_space<vmem>>, vector<1x16xf32>,
      %swap3A_401 = vector.shape_cast %swap3A_400 : vector<1x16xf32> to vector<16xf32>
      %swap3A_402 = vector.shape_cast %select_n3A_396 : vector<16xf32> to vector<1x16xf32>
      tpu.vector_store %arg6[%swap3A_398, %swap3A_399], %swap3A_402 {strides = array<i32>} : memref<16x512xf32, #tpu.memory_space<vmem>>, vector<1x16xf32>,
      %broadcast_in_dim3A_403 = arith.constant 12 : i32
      %broadcast_in_dim3A_404 = vector.broadcast %broadcast_in_dim3A_403 : i32 to vector<16xi32>
      %eq3A_405 = arith.cmpi eq, %select_n3A_252, %broadcast_in_dim3A_404 : vector<16xi32>
      %eq3A_406 = arith.cmpi eq, %select_n3A_250, %broadcast_in_dim3A_404 : vector<16xi32>
      %select_n3A_407 = arith.select %eq3A_406, %mul3A_258, %broadcast_in_dim3A_260 : vector<16xi1>, vector<16xf32>
      %select_n3A_408 = arith.select %eq3A_405, %div3A_257, %select_n3A_407 : vector<16xi1>, vector<16xf32>
      %swap3A_409 = arith.constant 12 : i32
      %swap3A_410 = arith.index_cast %swap3A_409 : i32 to index
      %swap3A_411 = arith.index_cast %mul3A_11 : i32 to index
      %swap3A_412 = tpu.vector_load %arg6[%swap3A_410, %swap3A_411] {strides = array<i32>} : memref<16x512xf32, #tpu.memory_space<vmem>>, vector<1x16xf32>,
      %swap3A_413 = vector.shape_cast %swap3A_412 : vector<1x16xf32> to vector<16xf32>
      %swap3A_414 = vector.shape_cast %select_n3A_408 : vector<16xf32> to vector<1x16xf32>
      tpu.vector_store %arg6[%swap3A_410, %swap3A_411], %swap3A_414 {strides = array<i32>} : memref<16x512xf32, #tpu.memory_space<vmem>>, vector<1x16xf32>,
      %broadcast_in_dim3A_415 = arith.constant 13 : i32
      %broadcast_in_dim3A_416 = vector.broadcast %broadcast_in_dim3A_415 : i32 to vector<16xi32>
      %eq3A_417 = arith.cmpi eq, %select_n3A_252, %broadcast_in_dim3A_416 : vector<16xi32>
      %eq3A_418 = arith.cmpi eq, %select_n3A_250, %broadcast_in_dim3A_416 : vector<16xi32>
      %select_n3A_419 = arith.select %eq3A_418, %mul3A_258, %broadcast_in_dim3A_260 : vector<16xi1>, vector<16xf32>
      %select_n3A_420 = arith.select %eq3A_417, %div3A_257, %select_n3A_419 : vector<16xi1>, vector<16xf32>
      %swap3A_421 = arith.constant 13 : i32
      %swap3A_422 = arith.index_cast %swap3A_421 : i32 to index
      %swap3A_423 = arith.index_cast %mul3A_11 : i32 to index
      %swap3A_424 = tpu.vector_load %arg6[%swap3A_422, %swap3A_423] {strides = array<i32>} : memref<16x512xf32, #tpu.memory_space<vmem>>, vector<1x16xf32>,
      %swap3A_425 = vector.shape_cast %swap3A_424 : vector<1x16xf32> to vector<16xf32>
      %swap3A_426 = vector.shape_cast %select_n3A_420 : vector<16xf32> to vector<1x16xf32>
      tpu.vector_store %arg6[%swap3A_422, %swap3A_423], %swap3A_426 {strides = array<i32>} : memref<16x512xf32, #tpu.memory_space<vmem>>, vector<1x16xf32>,
      %broadcast_in_dim3A_427 = arith.constant 14 : i32
      %broadcast_in_dim3A_428 = vector.broadcast %broadcast_in_dim3A_427 : i32 to vector<16xi32>
      %eq3A_429 = arith.cmpi eq, %select_n3A_252, %broadcast_in_dim3A_428 : vector<16xi32>
      %eq3A_430 = arith.cmpi eq, %select_n3A_250, %broadcast_in_dim3A_428 : vector<16xi32>
      %select_n3A_431 = arith.select %eq3A_430, %mul3A_258, %broadcast_in_dim3A_260 : vector<16xi1>, vector<16xf32>
      %select_n3A_432 = arith.select %eq3A_429, %div3A_257, %select_n3A_431 : vector<16xi1>, vector<16xf32>
      %swap3A_433 = arith.constant 14 : i32
      %swap3A_434 = arith.index_cast %swap3A_433 : i32 to index
      %swap3A_435 = arith.index_cast %mul3A_11 : i32 to index
      %swap3A_436 = tpu.vector_load %arg6[%swap3A_434, %swap3A_435] {strides = array<i32>} : memref<16x512xf32, #tpu.memory_space<vmem>>, vector<1x16xf32>,
      %swap3A_437 = vector.shape_cast %swap3A_436 : vector<1x16xf32> to vector<16xf32>
      %swap3A_438 = vector.shape_cast %select_n3A_432 : vector<16xf32> to vector<1x16xf32>
      tpu.vector_store %arg6[%swap3A_434, %swap3A_435], %swap3A_438 {strides = array<i32>} : memref<16x512xf32, #tpu.memory_space<vmem>>, vector<1x16xf32>,
      %broadcast_in_dim3A_439 = arith.constant 15 : i32
      %broadcast_in_dim3A_440 = vector.broadcast %broadcast_in_dim3A_439 : i32 to vector<16xi32>
      %eq3A_441 = arith.cmpi eq, %select_n3A_252, %broadcast_in_dim3A_440 : vector<16xi32>
      %eq3A_442 = arith.cmpi eq, %select_n3A_250, %broadcast_in_dim3A_440 : vector<16xi32>
      %select_n3A_443 = arith.select %eq3A_442, %mul3A_258, %broadcast_in_dim3A_260 : vector<16xi1>, vector<16xf32>
      %select_n3A_444 = arith.select %eq3A_441, %div3A_257, %select_n3A_443 : vector<16xi1>, vector<16xf32>
      %swap3A_445 = arith.constant 15 : i32
      %swap3A_446 = arith.index_cast %swap3A_445 : i32 to index
      %swap3A_447 = arith.index_cast %mul3A_11 : i32 to index
      %swap3A_448 = tpu.vector_load %arg6[%swap3A_446, %swap3A_447] {strides = array<i32>} : memref<16x512xf32, #tpu.memory_space<vmem>>, vector<1x16xf32>,
      %swap3A_449 = vector.shape_cast %swap3A_448 : vector<1x16xf32> to vector<16xf32>
      %swap3A_450 = vector.shape_cast %select_n3A_444 : vector<16xf32> to vector<1x16xf32>
      tpu.vector_store %arg6[%swap3A_446, %swap3A_447], %swap3A_450 {strides = array<i32>} : memref<16x512xf32, #tpu.memory_space<vmem>>, vector<1x16xf32>,
      %swap3A_451 = arith.constant 0 : i32
      %swap3A_452 = arith.index_cast %swap3A_451 : i32 to index
      %swap3A_453 = arith.index_cast %mul3A_11 : i32 to index
      %swap3A_454 = tpu.vector_load %arg7[%swap3A_452, %swap3A_453] {strides = array<i32>} : memref<2x512xi32, #tpu.memory_space<vmem>>, vector<1x16xi32>,
      %swap3A_455 = vector.shape_cast %swap3A_454 : vector<1x16xi32> to vector<16xi32>
      %swap3A_456 = vector.shape_cast %select_n3A_252 : vector<16xi32> to vector<1x16xi32>
      tpu.vector_store %arg7[%swap3A_452, %swap3A_453], %swap3A_456 {strides = array<i32>} : memref<2x512xi32, #tpu.memory_space<vmem>>, vector<1x16xi32>,
      %swap3A_457 = arith.constant 1 : i32
      %swap3A_458 = arith.index_cast %swap3A_457 : i32 to index
      %swap3A_459 = arith.index_cast %mul3A_11 : i32 to index
      %swap3A_460 = tpu.vector_load %arg7[%swap3A_458, %swap3A_459] {strides = array<i32>} : memref<2x512xi32, #tpu.memory_space<vmem>>, vector<1x16xi32>,
      %swap3A_461 = vector.shape_cast %swap3A_460 : vector<1x16xi32> to vector<16xi32>
      %swap3A_462 = vector.shape_cast %select_n3A_250 : vector<16xi32> to vector<1x16xi32>
      tpu.vector_store %arg7[%swap3A_458, %swap3A_459], %swap3A_462 {strides = array<i32>} : memref<2x512xi32, #tpu.memory_space<vmem>>, vector<1x16xi32>,
    }
    %scan3A_8 = arith.constant 32 : i32
    "tpu.region"() ({
      %run_scoped3A = tpu.sem_alloc : memref<!tpu.dma_semaphore, #tpu.memory_space<semaphore_mem>>
      %dma_start3A = arith.constant 0 : i32
      %dma_start3A_9 = tpu.memref_slice %arg3[%dma_start3A, %mul3A_2] : memref<16x16384xf32, #tpu.memory_space<hbm>> -> memref<16x512xf32, #tpu.memory_space<hbm>>
      %dma_start3A_10 = arith.constant 0 : i32
      %dma_start3A_11 = tpu.memref_slice %arg3[%dma_start3A_10, %mul3A_2] : memref<16x16384xf32, #tpu.memory_space<hbm>> -> memref<16x512xf32, #tpu.memory_space<hbm>>
      tpu.enqueue_dma source(%arg6 : memref<16x512xf32, #tpu.memory_space<vmem>>) target(%dma_start3A_11 : memref<16x512xf32, #tpu.memory_space<hbm>>) target_semaphore(%run_scoped3A : memref<!tpu.dma_semaphore, #tpu.memory_space<semaphore_mem>>)
      %dma_wait3A = arith.constant 0 : i32
      %dma_wait3A_12 = tpu.memref_slice %arg3[%dma_wait3A, %mul3A_2] : memref<16x16384xf32, #tpu.memory_space<hbm>> -> memref<16x512xf32, #tpu.memory_space<hbm>>
      %dma_wait3A_13 = arith.constant 0 : i32
      %dma_wait3A_14 = tpu.memref_slice %arg3[%dma_wait3A_13, %mul3A_2] : memref<16x16384xf32, #tpu.memory_space<hbm>> -> memref<16x512xf32, #tpu.memory_space<hbm>>
      tpu.wait_dma2 semaphore(%run_scoped3A : memref<!tpu.dma_semaphore, #tpu.memory_space<semaphore_mem>>) src(%arg6 : memref<16x512xf32, #tpu.memory_space<vmem>>) dst(%dma_wait3A_14 : memref<16x512xf32, #tpu.memory_space<hbm>>)
      tpu.yield
    }) : () -> ()
    "tpu.region"() ({
      %run_scoped3A = tpu.sem_alloc : memref<!tpu.dma_semaphore, #tpu.memory_space<semaphore_mem>>
      %dma_start3A = arith.constant 0 : i32
      %dma_start3A_9 = tpu.memref_slice %arg4[%dma_start3A, %mul3A_2] : memref<2x16384xi32, #tpu.memory_space<hbm>> -> memref<2x512xi32, #tpu.memory_space<hbm>>
      %dma_start3A_10 = arith.constant 0 : i32
      %dma_start3A_11 = tpu.memref_slice %arg4[%dma_start3A_10, %mul3A_2] : memref<2x16384xi32, #tpu.memory_space<hbm>> -> memref<2x512xi32, #tpu.memory_space<hbm>>
      tpu.enqueue_dma source(%arg7 : memref<2x512xi32, #tpu.memory_space<vmem>>) target(%dma_start3A_11 : memref<2x512xi32, #tpu.memory_space<hbm>>) target_semaphore(%run_scoped3A : memref<!tpu.dma_semaphore, #tpu.memory_space<semaphore_mem>>)
      %dma_wait3A = arith.constant 0 : i32
      %dma_wait3A_12 = tpu.memref_slice %arg4[%dma_wait3A, %mul3A_2] : memref<2x16384xi32, #tpu.memory_space<hbm>> -> memref<2x512xi32, #tpu.memory_space<hbm>>
      %dma_wait3A_13 = arith.constant 0 : i32
      %dma_wait3A_14 = tpu.memref_slice %arg4[%dma_wait3A_13, %mul3A_2] : memref<2x16384xi32, #tpu.memory_space<hbm>> -> memref<2x512xi32, #tpu.memory_space<hbm>>
      tpu.wait_dma2 semaphore(%run_scoped3A : memref<!tpu.dma_semaphore, #tpu.memory_space<semaphore_mem>>) src(%arg7 : memref<2x512xi32, #tpu.memory_space<vmem>>) dst(%dma_wait3A_14 : memref<2x512xi32, #tpu.memory_space<hbm>>)
      tpu.yield
    }) : () -> ()
    return
  }
}

module attributes {stable_mosaic.version = 14 : i64} {
  func.func @_logits_block(%arg0: i32, %arg1: memref<1024x2048xf32, #tpu.memory_space<vmem>>, %arg2: memref<32x2048xf32, #tpu.memory_space<vmem>>, %arg3: memref<32x1xf32, #tpu.memory_space<vmem>>, %arg4: memref<16x1024xf32, #tpu.memory_space<vmem>>, %arg5: memref<16x1024xf32, #tpu.memory_space<vmem>>) attributes {dimension_semantics = [#tpu.dimension_semantics<arbitrary>], iteration_bounds = array<i64: 16>, scalar_prefetch = 0 : i64, scratch_operands = 0 : i64, tpu.core_type = #tpu.core_type<tc>, window_params = [{transform_indices = @transform_0, window_bounds = array<i64: 1024, 2048>}, {pipeline_mode = #tpu.pipeline_mode<synchronous>, transform_indices = @transform_1, window_bounds = array<i64: 32, 2048>}, {pipeline_mode = #tpu.pipeline_mode<synchronous>, transform_indices = @transform_2, window_bounds = array<i64: 32, 1>}, {transform_indices = @transform_3, window_bounds = array<i64: 16, 1024>}, {transform_indices = @transform_4, window_bounds = array<i64: 16, 1024>}]} {
    %get3A = arith.constant 0 : index
    %get3A_0 = arith.constant 0 : index
    %get3A_1 = vector.load %arg2[%get3A, %get3A_0] : memref<32x2048xf32, #tpu.memory_space<vmem>>, vector<32x2048xf32>
    %get3A_2 = arith.constant 0 : index
    %get3A_3 = arith.constant 0 : index
    %get3A_4 = vector.load %arg1[%get3A_2, %get3A_3] : memref<1024x2048xf32, #tpu.memory_space<vmem>>, vector<1024x2048xf32>
    %dot_general3A = arith.constant dense<0.000000e+00> : vector<32x1024xf32>
    %dot_general3A_5 = tpu.matmul %get3A_1, %get3A_4, %dot_general3A {dimension_numbers = #tpu.dot_dimension_numbers<[1], [1], [0], [0], [0, 0, 1, 0], [], []>, transpose_lhs_hint = false} : vector<32x2048xf32>, vector<1024x2048xf32>, vector<32x1024xf32> -> vector<32x1024xf32>
    %get3A_6 = arith.constant 0 : index
    %get3A_7 = arith.constant 0 : index
    %get3A_8 = vector.load %arg3[%get3A_6, %get3A_7] : memref<32x1xf32, #tpu.memory_space<vmem>>, vector<32x1xf32>
    %add3A = vector.broadcast %get3A_8 : vector<32x1xf32> to vector<32x1024xf32>
    %add3A_9 = arith.addf %dot_general3A_5, %add3A : vector<32x1024xf32>
    %slice3A = vector.extract_strided_slice %add3A_9 {offsets = [0, 0], sizes = [16, 1024], strides = [1, 1]} : vector<32x1024xf32> to vector<16x1024xf32>
    %slice3A_10 = vector.extract_strided_slice %add3A_9 {offsets = [16, 0], sizes = [16, 1024], strides = [1, 1]} : vector<32x1024xf32> to vector<16x1024xf32>
    %get3A_11 = arith.constant 0 : index
    %get3A_12 = arith.constant 0 : index
    %get3A_13 = vector.load %arg4[%get3A_11, %get3A_12] : memref<16x1024xf32, #tpu.memory_space<vmem>>, vector<16x1024xf32>
    %custom_jvp_call3A = arith.constant 0.000000e+00 : f32
    %max3A = vector.broadcast %custom_jvp_call3A : f32 to vector<16x1024xf32>
    %max3A_14 = arith.maximumf %slice3A_10, %max3A : vector<16x1024xf32>
    %sub3A = vector.broadcast %custom_jvp_call3A : f32 to vector<16x1024xf32>
    %sub3A_15 = arith.subf %slice3A_10, %sub3A : vector<16x1024xf32>
    %ne3A = arith.cmpf one, %sub3A_15, %sub3A_15 : vector<16x1024xf32>
    %add3A_16 = vector.broadcast %custom_jvp_call3A : f32 to vector<16x1024xf32>
    %add3A_17 = arith.addf %slice3A_10, %add3A_16 : vector<16x1024xf32>
    %abs3A = math.absf %sub3A_15 : vector<16x1024xf32>
    %neg3A = arith.constant 0.000000e+00 : f32
    %neg3A_18 = vector.broadcast %neg3A : f32 to vector<16x1024xf32>
    %neg3A_19 = arith.subf %neg3A_18, %abs3A : vector<16x1024xf32>
    %exp3A = math.exp %neg3A_19 : vector<16x1024xf32>
    %log1p3A = math.log1p %exp3A : vector<16x1024xf32>
    %add3A_20 = arith.addf %max3A_14, %log1p3A : vector<16x1024xf32>
    %select_n3A = arith.select %ne3A, %add3A_17, %add3A_20 : vector<16x1024xi1>, vector<16x1024xf32>
    %mul3A = arith.mulf %get3A_13, %select_n3A : vector<16x1024xf32>
    %add3A_21 = arith.addf %slice3A, %mul3A : vector<16x1024xf32>
    %swap3A = arith.constant 0 : index
    %swap3A_22 = arith.constant 0 : index
    %swap3A_23 = vector.load %arg5[%swap3A, %swap3A_22] : memref<16x1024xf32, #tpu.memory_space<vmem>>, vector<16x1024xf32>
    tpu.vector_store %arg5[%swap3A, %swap3A_22], %add3A_21 {strides = array<i32>} : memref<16x1024xf32, #tpu.memory_space<vmem>>, vector<16x1024xf32>,
    return
  }
  func.func @transform_0(%arg0: i32) -> (i32, i32) {
    %c0_i32 = arith.constant 0 : i32
    %c0_i32_0 = arith.constant 0 : i32
    return %arg0, %c0_i32 : i32, i32
  }
  func.func @transform_1(%arg0: i32) -> (i32, i32) {
    %c0_i32 = arith.constant 0 : i32
    %c0_i32_0 = arith.constant 0 : i32
    %c0_i32_1 = arith.constant 0 : i32
    return %c0_i32, %c0_i32_0 : i32, i32
  }
  func.func @transform_2(%arg0: i32) -> (i32, i32) {
    %c0_i32 = arith.constant 0 : i32
    %c0_i32_0 = arith.constant 0 : i32
    %c0_i32_1 = arith.constant 0 : i32
    return %c0_i32, %c0_i32_0 : i32, i32
  }
  func.func @transform_3(%arg0: i32) -> (i32, i32) {
    %c0_i32 = arith.constant 0 : i32
    %c0_i32_0 = arith.constant 0 : i32
    return %c0_i32, %arg0 : i32, i32
  }
  func.func @transform_4(%arg0: i32) -> (i32, i32) {
    %c0_i32 = arith.constant 0 : i32
    %c0_i32_0 = arith.constant 0 : i32
    return %c0_i32, %arg0 : i32, i32
  }
}

</mosaic_0001>

<sc_bundles>
// kernel: kernel.4.cloned.1.call-start
scs
__scs_entry_jumppad:
0x0: {  	(pc) =	sbr.rel $0x88, $3  }
0x1: {  	(tag) =	ssettag $0x0;
	lr =	simm.s32 $0x1  }
0x2: {  	[smem:$0x3F9B] =	sst lr;
	_ =	strace $0xD0000000  }
0x3: {  	_ = 	snop  }
0x4: {  	_ = 	snop  }
0x5: {  	_ = 	snop  }
0x6: {  	_ = 	snop  }
0x7: {  	_ = 	snop  }
__scs_overlays_trampoline_lowered:
0x8: {  	[smem:$0x3FAA] =	sst s0  }
0x9: {  	[smem:$0x3FAB] =	sst s1  }
0xa: {  	[smem:$0x3FAC] =	sst s2  }
0xb: {  	[smem:$0x3FAD] =	sst s3  }
0xc: {  	[smem:$0x3FAE] =	sst s4  }
0xd: {  	[smem:$0x3FAF] =	sst s5  }
0xe: {  	[smem:$0x3FB0] =	sst s6  }
0xf: {  	[smem:$0x3FB1] =	sst s7  }
0x10: {  	[smem:$0x3FB2] =	sst s8  }
0x11: {  	[smem:$0x3FB3] =	sst s9;
	s0 =	simm.s32 @!p0 $0x0  }
0x12: {  	s1 =	sld [smem:$0x3F99];
	s0 =	simm.s32 @p0 $0x1  }
0x13: {  	[smem:$0x3FB4] =	sst s0;
	s0 =	simm.s32 @!p1 $0x0  }
0x14: {  	s2 =	sld [smem:$0x3F98];
	s0 =	simm.s32 @p1 $0x1  }
0x15: {  	[smem:$0x3FB5] =	sst s0;
	s0 =	simm.s32 @!p2 $0x0  }
0x16: {  	s3 =	sld [smem:$0x3FDB];
	s0 =	simm.s32 @p2 $0x1  }
0x17: {  	s4 =	simm.s32 $0x1BF5;
	[smem:$0x3FB7] =	sst s0  }
0x18: {  	s0 =	sld [smem:$0x3F9A];
	_ =	swait.ge [sflag:s4], $0x0  }
0x19: {  	s7 =	sld [smem:$0x3F9B]  }
0x1a: {  	s8 =	sadd.s32 $0xFFFFE003, lr  }
0x1b: {  	s9 =	sadd.s32 $0xFFFFFEF7, lr;
	s5 =	simm.s32 $0xFFFFFFFF;
	p2 =	slt.u32 s8, $0xFFFFF086  }
0x1c: {  	p1 =	slt.u32 s9, $0xF7A;
	s5 =	simm.s32 @!p2 $0x0  }
0x1d: {  	s5 =	simm.s32 @p1 $0x1;
	p0 =	seq.s32 s7, s2  }
0x1e: {  	s7 =	smul.u32 @!p0 $0xF7A, s2;
	p2 =	seq.s32 @!p0 s5, $0x0  }
0x1f: {  	s9 =	smul.u32 $0xF7A, s1;
	s8 =	simm.s32 @!p0 $0x1BF5;
	p2 =	por !p2, p0  }
0x20: {  	[sflag:s8] =	ssyncset.s32 @!p0 $0xFFFFF086;
	s6 =	sadd.s32 @!p0 s3, s7;
	s7 =	simm.s32 @!p0 $0x108  }
0x21: {  	s3 =	sadd.s32 s3, s9;
	s6 =	sadd.s32 @!p0 $0x88, s6;
	s7 =	simm.s32 @p2 $0x1082  }
0x22: {  	[simem:s7], [sflag:s8] =	dma.local @!p0 [hbm:s6], $0xF7A  }
0x23: {  	s9 =	sor.u32 $0xD0000000, s2;
	s6 =	simm.s32 $0x108;
	_ =	swait.ge @!p0 [sflag:s8], $0x0  }
0x24: {  	s3 =	sadd.s32 $0x88, s3;
	s6 =	simm.s32 @!p1 $0x1082;
	[sflag:s4] =	ssyncset.s32 $0xFFFFF086  }
0x25: {  	[simem:s6], [sflag:s4] =	dma.local [hbm:s3], $0xF7A  }
0x26: {  	[smem:$0x3F9B] =	sst s1;
	(tag) =	ssettag s2;
	_ =	strace s9  }
0x27: {  	s1 =	sld [smem:$0x3FAB]  }
0x28: {  	s2 =	sld [smem:$0x3FAC]  }
0x29: {  	s4 =	sld [smem:$0x3FAE]  }
0x2a: {  	p0 =	seq.s32 s5, $0x0;
	s5 =	sld [smem:$0x3FAF]  }
0x2b: {  	s6 =	sld [smem:$0x3FB0]  }
0x2c: {  	s7 =	sld [smem:$0x3FB1]  }
0x2d: {  	s3 =	simm.s32 $0x108;
	s8 =	sld [smem:$0x3FB2]  }
0x2e: {  	s3 =	simm.s32 @!p0 $0x1082;
	s9 =	sld [smem:$0x3FB3]  }
0x2f: {  	lr =	sadd.s32 s0, s3;
	s0 =	sld [smem:$0x3FAA]  }
0x30: {  	s3 =	sld [smem:$0x3FAD]  }
0x31: {  	[smem:$0x3FB6] =	sst s10  }
0x32: {  	s10 =	sld [smem:$0x3FB4];
	_ =	sdelay $0x3  }
0x33: {  	p0 =	seq.s32 s10, $0x1;
	s10 =	sld [smem:$0x3FB6];
	_ =	sdelay $0x3  }
0x34: {  	[smem:$0x3FB6] =	sst s10  }
0x35: {  	s10 =	sld [smem:$0x3FB5];
	_ =	sdelay $0x3  }
0x36: {  	p1 =	seq.s32 s10, $0x1;
	s10 =	sld [smem:$0x3FB6];
	_ =	sdelay $0x3  }
0x37: {  	[smem:$0x3FB6] =	sst s10  }
0x38: {  	s10 =	sld [smem:$0x3FB7]  }
0x39: {  	_ = 	snop;
	(pc) =	sbr.ind lr, $3  }
0x3a: {  	_ = 	snop  }
0x3b: {  	_ = 	snop  }
0x3c: {  	p2 =	seq.s32 s10, $0x1;
	s10 =	sld [smem:$0x3FB6]  }
0x3d: {  	_ =	shalt  }
0x3e: {  	_ =	shalt  }
0x3f: {  	_ =	shalt  }
0x40: {  	_ =	shalt  }
0x41: {  	_ =	shalt  }
0x42: {  	_ =	shalt  }
0x43: {  	_ =	shalt  }
0x44: {  	_ =	shalt  }
0x45: {  	_ =	shalt  }
0x46: {  	_ =	shalt  }
0x47: {  	_ =	shalt  }
0x48: {  	_ =	shalt  }
0x49: {  	_ =	shalt  }
0x4a: {  	_ =	shalt  }
0x4b: {  	_ =	shalt  }
0x4c: {  	_ =	shalt  }
0x4d: {  	_ =	shalt  }
0x4e: {  	_ =	shalt  }
0x4f: {  	_ =	shalt  }
0x50: {  	_ =	shalt  }
0x51: {  	_ =	shalt  }
0x52: {  	_ =	shalt  }
0x53: {  	_ =	shalt  }
0x54: {  	_ =	shalt  }
0x55: {  	_ =	shalt  }
0x56: {  	_ =	shalt  }
0x57: {  	_ =	shalt  }
0x58: {  	_ =	shalt  }
0x59: {  	_ =	shalt  }
0x5a: {  	_ =	shalt  }
0x5b: {  	_ =	shalt  }
0x5c: {  	_ =	shalt  }
0x5d: {  	_ =	shalt  }
0x5e: {  	_ =	shalt  }
0x5f: {  	_ =	shalt  }
0x60: {  	_ =	shalt  }
0x61: {  	_ =	shalt  }
0x62: {  	_ =	shalt  }
0x63: {  	_ =	shalt  }
0x64: {  	_ =	shalt  }
0x65: {  	_ =	shalt  }
0x66: {  	_ =	shalt  }
0x67: {  	_ =	shalt  }
0x68: {  	_ =	shalt  }
0x69: {  	_ =	shalt  }
0x6a: {  	_ =	shalt  }
0x6b: {  	_ =	shalt  }
0x6c: {  	_ =	shalt  }
0x6d: {  	_ =	shalt  }
0x6e: {  	_ =	shalt  }
0x6f: {  	_ =	shalt  }
0x70: {  	_ =	shalt  }
0x71: {  	_ =	shalt  }
0x72: {  	_ =	shalt  }
0x73: {  	_ =	shalt  }
0x74: {  	_ =	shalt  }
0x75: {  	_ =	shalt  }
0x76: {  	_ =	shalt  }
0x77: {  	_ =	shalt  }
0x78: {  	_ =	shalt  }
0x79: {  	_ =	shalt  }
0x7a: {  	_ =	shalt  }
0x7b: {  	_ =	shalt  }
0x7c: {  	_ =	shalt  }
0x7d: {  	_ =	shalt  }
0x7e: {  	_ =	shalt  }
0x7f: {  	_ =	shalt  }
0x80: {  	_ =	shalt  }
0x81: {  	_ =	shalt  }
0x82: {  	_ =	shalt  }
0x83: {  	_ =	shalt  }
0x84: {  	_ =	shalt  }
0x85: {  	_ =	shalt  }
0x86: {  	_ =	shalt  }
0x87: {  	_ =	shalt  }
.Lfunc_end0:
.L_simem_size_0:
called_computation_lowered:
.L_overlay_start_0:
0x88: {  	s2 =	sld [smem:$0x3FD9]  }
0x89: {  	s3 =	sld [smem:$0x3FFE];
	_ =	sdelay $0x1  }
0x8a: {  	s1 =	srdreg.scid  }
0x8b: {  	s0 =	sand.u32 $0x1, s1  }
0x8c: {  	s14 =	sshll.u32 s0, $0xA;
	s2 =	sadd.s32 s3, s2  }
0x8d: {  	s2 =	sadd.s32 s2, s14  }
0x8e: {  	[smem:$0x3FC2] =	sst s2  }
0x8f: {  	_ = 	snop  }
0x90: {  	s2 =	sld [smem:$0x3FD0];
	_ =	sdelay $0x2  }
0x91: {  	s15 =	simm.s32 $0xA;
	s4 =	simm.s32 $0x10  }
0x92: {  	[smem:s4], [sflag:s15] =	dma.local [hbm:s2], $0x1  }
0x93: {  	_ =	swait.eq [sflag:s15], $0x1  }
0x94: {  	[sflag:s15] =	ssyncset.done $0x0  }
0x95: {  	s16 =	sld [smem:$0x10];
	[sflag:s15] =	ssyncadd.s32 $0xFFFFFFFF  }
0x96: {  	s17 =	sld [smem:$0x11];
	(tm) =	ssettm $0x1  }
0x97: {  	s18 =	sld [smem:$0x3FFB];
	_ =	sdelay $0x3  }
0x98: {  	_ =	strace s18  }
0x99: {  	s4 =	sld [smem:$0x3FFC];
	_ =	sdelay $0x3  }
0x9a: {  	_ =	strace s4  }
0x9b: {  	s4 =	sld [smem:$0x3FFD];
	_ =	sdelay $0x3  }
0x9c: {  	_ =	strace s4  }
0x9d: {  	_ =	strace $0x8FFFFFFF  }
0x9e: {  	s19 =	sld [smem:$0x3FDB];
	_ =	sdelay $0x1  }
0x9f: {  	s5 =	simm.s32 $_scs_section_size  }
0xa0: {  	s6 =	simm.s32 $_size__tile_overlayer_lowered;
	s7 =	simm.s32 $_tile_overlayer_lowered  }
0xa1: {  	s22 =	simm.s32 $0x1BFF;
	s21 =	sshll.u32 s7, $0x1;
	s4 =	sadd.s32 s5, s19  }
0xa2: {  	s8 =	simm.s32 $0x0;
	s20 =	sshll.u32 s6, $0x1;
	s6 =	sadd.s32 s21, s4  }
0xa3: {  	[timem:s8], [sflag:s22] =	dma.local [hbm:s6], s20  }
0xa4: {  	_ =	swait.ge [sflag:s22], s20  }
0xa5: {  	s5 =	ssub.s32 $0x0, s20;
	[sflag:s22] =	ssyncset.done $0x0  }
0xa6: {  	[sflag:s22] =	ssyncadd.s32 s5;
	_ =	sdelay $0x1  }
0xa7: {  	s23 =	simm.s32 $0x1B8B  }
0xa8: {  	_ =	swait.ge [sflag:s23], $0x1  }
0xa9: {  	[sflag:s23] =	ssyncset.done $0x0  }
0xaa: {  	s25 =	simm.s32 $0x1B8E;
	s24 =	sld [smem:$0x3FFE];
	[sflag:s23] =	ssyncadd.s32 $0xFFFFFFFF  }
0xab: {  	s26 =	simm.s32 $execute0_lowered;
	[smem:$0x3FD2] =	sst s25  }
0xac: {  	s6 =	sshll.u32 s26, $0x1;
	_ =	strace $0x80000046;
	[dreg:$0x1] =	wrdreg $0xFFFFFFFF  }
0xad: {  	s28 =	simm.s32 $_size_execute0_lowered;
	s4 =	sadd.s32 s4, s6;
	[dreg:$0x0] =	wrdreg $0x0  }
0xae: {  	s6 =	sshll.u32 s28, $0x1;
	[dreg:$0x2] =	wrdreg s4  }
0xaf: {  	[dreg:$0x3] =	wrdreg s6  }
0xb0: {  	[dreg:$0x4] =	wrdreg $0xC0  }
0xb1: {  	_ =	task [dreg:s8], $0x5FFFF  }
0xb2: {  	[dreg:$0x1] =	wrdreg $0xFFFFFFFF  }
0xb3: {  	[dreg:$0x0] =	wrdreg $0x60  }
0xb4: {  	[dreg:$0x2] =	wrdreg s24  }
0xb5: {  	[dreg:$0x3] =	wrdreg s16  }
0xb6: {  	[dreg:$0x4] =	wrdreg s17  }
0xb7: {  	[dreg:$0x5] =	wrdreg $0x9  }
0xb8: {  	_ =	task.clear_ibuf [dreg:s8], $0x6FFFF;
	_ =	strace $0x90000046  }
0xb9: {  	s29 =	simm.s32 $0x9;
	_ =	strace $0x80000048  }
0xba: {  	_ =	swait.ge [sflag:s29], $0x1  }
0xbb: {  	[sflag:s29] =	ssyncadd.s32 $0xFFFFFFFF  }
0xbc: {  	_ =	strace $0x90000048  }
0xbd: {  	_ =	sfence  }
0xbe: {  	s30 =	sld [smem:$0x0];
	_ =	sdelay $0x2  }
0xbf: {  	s31 =	sshll.u32 s1, $0xD;
	s1 =	sshrl.u32 s1, $0x2  }
0xc0: {  	s3 =	sand.u32 $0x4000, s31;
	s1 =	sadd.s32 s1, s30  }
0xc1: {  	s0 =	sor.u32 s3, s0;
	s1 =	sshll.u32 s1, $0x11  }
0xc2: {  	s0 =	sor.u32 s1, s0  }
0xc3: {  	s0 =	sadd.s32 $0x8F2B, s0  }
0xc4: {  	[sflag:s0] =	ssyncadd.remote.s32 $0x1  }
0xc5: {  	_ =	sfence.sel $0xFFFF  }
0xc6: {  	[dreg:$0x0] =	wrdreg $0xFFFFFFFF;
	(pc) =	sbr.abs _section_cstart, $3  }
0xc7: {  	[dreg:$0x1] =	wrdreg $0xFFFFFFFF  }
0xc8: {  	_ =	task.clear_ibuf [dreg:s8], $0x2FFFF;
	_ =	strace $0x9FFFFFFF  }
0xc9: {  	(tm) =	ssettm $0x7FFFFFFF  }
tec
execute0_lowered:
.L_overlay_start_1:
0x0: {  	(tag) =	ssettag $0x1  }
0x1: {  	s3 =	rddreg [dreg:$0x0]  }
0x2: {  	s4 =	rddreg [dreg:$0x1]  }
0x3: {  	s5 =	rddreg [dreg:$0x2];
	s2 =	srdreg.scid  }
0x4: {  	s0 =	rddreg [dreg:$0x3];
	s1 =	stileid.u32;
	s9 =	simm.s32 $0x1  }
0x5: {  	s10 =	simm.s32 $0x2000;
	s11 =	simm.s32 $0x4000;
	s12 =	simm.s32 $0x0  }
0x6: {  	s6 =	sand.u32 $0x1, s2;
	s2 =	simm.s32 $0x0;
	s7 =	sshll.u32 s1, $0xA  }
0x7: {  	s8 =	sshll.u32 s6, $0x9;
	[smem:$0x7FF] =	sst s2;
	s6 =	ssub.s32 $0x2, s6  }
0x8: {  	s7 =	sor.u32 s8, s7;
	_ =	strace $0x80000047;
	s30 =	sshrl.u32 s6, $0x1  }
0x9: {  	s8 =	simm.s32 $0x20000;
	s3 =	sadd.s32 s7, s3;
	s6 =	ssub.s32 s6, s30  }
0xa: {  	s31 =	sshrl.u32 s7, $0x2;
	s4 =	sadd.s32 s4, s7;
	s7 =	simm.s32 $0x1000  }
0xb: {  	v0 =	vimm.s32 $0x0;
	s3 =	sadd.s32 $0xC00, s3;
	s5 =	sadd.s32 s5, s31;
	s6 =	smax.u32 s6, $0x1  }
.LBB2_1:
0xc: {  	[tilespmem:s2], [sflag:$0x1] =	stream.strided.gather [hbm4b:s3+s7], $0x2000, s8, s7, $0x38;
	[tilespmem:$0x4400] =	vst v63  }
0xd: {  	s20 =	simm.s32 $0x80  }
0xe: {  	s13 =	sand.u32 $0x70, s2;
	s15 =	sand.u32 $0x7FFFFC00, s2;
	_ =	swait.ge [sflag:s9], $0x2000  }
0xf: {  	s16 =	sand.u32 $0xFFFFFC00, s2;
	s21 =	simm.s32 $0x0;
	[sflag:s9] =	ssyncset.done $0x0  }
0x10: {  	s14 =	sor.u32 s13, s15;
	s19 =	sadd.s32 $0x0, s16;
	[sflag:s9] =	ssyncadd.s32 $0xFFFFE000  }
0x11: {  	s15 =	sshrl.u32 s15, $0x2;
	s18 =	sor.u32 $0x180, s19;
	s17 =	sor.u32 $0x380, s19;
	v2 =	vld [tilespmem:s14+$0x0]  }
0x12: {  	s23 =	sor.u32 $0x1000, s14;
	s22 =	sor.u32 $0x1080, s14;
	s16 =	sor.u32 $0x1180, s19;
	v1 =	vld [tilespmem:s14+$0x80]  }
.LBB2_2:
0x13: {  	_ =	sdelay $0x2  }
0x14: {  	v3 =	vld [tilespmem:s14+$0x100];
	vm0 =	vgt.f32 v2, $-Inf  }
0x15: {  	vm7 =	vlt.f32 v1, $-Inf;
	vm1 =	vgt.f32 v1, $-Inf;
	v2 =	vnsel vm0, $0xFF800000, v2  }
0x16: {  	vm0 =	vmor vm1, vm7;
	vm2 =	vgt.f32 v1, v2  }
0x17: {  	v5 =	vld [tilespmem:s18+$0x0];
	v4 =	vnsel vm0, $0xFF800000, v1;
	vm8 =	vmneg vm2  }
0x18: {  	v4 =	vsel vm8, v4, v2  }
0x19: {  	v1 =	vsel vm8, v2, v1;
	vm9 =	vgt.f32 v3, v4  }
0x1a: {  	v7 =	vld [tilespmem:s14+$0x200];
	vm1 =	vgt.f32 v3, v1;
	v4 =	vsel vm9, v3, v4  }
0x1b: {  	v6 =	vsel vm2, $0x1, v0;
	v4 =	vsel vm1, v1, v4  }
0x1c: {  	vm0 =	vmand vm0, vm8;
	v1 =	vsel vm1, v3, v1;
	vm11 =	vgt.f32 v5, v4  }
0x1d: {  	v11 =	vld [tilespmem:s14+$0x280];
	v2 =	vsel vm0, $0x1, v0;
	vm10 =	vgt.f32 v5, v1;
	v4 =	vsel vm11, v5, v4  }
0x1e: {  	v2 =	vsel vm9, $0x2, v2;
	v5 =	vsel vm10, v5, v1;
	v1 =	vsel vm10, v1, v4  }
0x1f: {  	v3 =	vsel vm1, $0x2, v6;
	v2 =	vsel vm1, v6, v2;
	vm12 =	vgt.f32 v7, v1  }
0x20: {  	v12 =	vld [tilespmem:s14+$0x300];
	v2 =	vsel vm11, $0x3, v2;
	vm13 =	vgt.f32 v7, v5;
	v1 =	vsel vm12, v7, v1  }
0x21: {  	v2 =	vsel vm10, v3, v2;
	v1 =	vsel vm13, v5, v1  }
0x22: {  	v3 =	vsel vm10, $0x3, v3;
	v5 =	vsel vm13, v7, v5;
	vm14 =	vgt.f32 v11, v1  }
0x23: {  	v13 =	vld [tilespmem:s17+$0x0];
	v2 =	vsel vm12, $0x4, v2;
	vm15 =	vgt.f32 v11, v5;
	v1 =	vsel vm14, v11, v1  }
0x24: {  	v2 =	vsel vm13, v3, v2;
	v1 =	vsel vm15, v5, v1  }
0x25: {  	v3 =	vsel vm13, $0x4, v3;
	v5 =	vsel vm15, v11, v5;
	vm4 =	vgt.f32 v12, v1  }
0x26: {  	v14 =	vld [tilespmem:s23+$0x0];
	v2 =	vsel vm14, $0x5, v2;
	vm5 =	vgt.f32 v12, v5;
	v1 =	vsel vm4, v12, v1  }
0x27: {  	v2 =	vsel vm15, v3, v2;
	v3 =	vsel vm15, $0x5, v3;
	v1 =	vsel vm5, v5, v1  }
0x28: {  	v2 =	vsel vm4, $0x6, v2;
	v4 =	vsel vm5, v12, v5;
	vm6 =	vgt.f32 v13, v1  }
0x29: {  	v15 =	vld [tilespmem:s22+$0x0];
	v2 =	vsel vm5, v3, v2;
	vm1 =	vgt.f32 v13, v4;
	v1 =	vsel vm6, v13, v1  }
0x2a: {  	v3 =	vsel vm5, $0x6, v3;
	v2 =	vsel vm6, $0x7, v2;
	v1 =	vsel vm1, v4, v1  }
0x2b: {  	s30 =	sor.u32 $0x1100, s14;
	v2 =	vsel vm1, v3, v2;
	v4 =	vsel vm1, v13, v4;
	vm7 =	vgt.f32 v14, v1  }
0x2c: {  	v16 =	vld [tilespmem:s30+$0x0];
	v3 =	vsel vm1, $0x7, v3;
	vm1 =	vgt.f32 v14, v4;
	v1 =	vsel vm7, v14, v1  }
0x2d: {  	v2 =	vsel vm7, $0x8, v2;
	v1 =	vsel vm1, v4, v1  }
0x2e: {  	v17 =	vsel vm1, $0x8, v3;
	v4 =	vsel vm1, v14, v4;
	vm8 =	vgt.f32 v15, v1  }
0x2f: {  	v2 =	vsel vm1, v3, v2;
	v3 =	vld [tilespmem:s16+$0x0];
	vm9 =	vgt.f32 v15, v4;
	v1 =	vsel vm8, v15, v1  }
0x30: {  	v1 =	vsel vm9, v4, v1  }
0x31: {  	s23 =	sor.u32 $0x1200, s14;
	v4 =	vsel vm9, v15, v4;
	vm10 =	vgt.f32 v16, v1  }
0x32: {  	v19 =	vld [tilespmem:s23+$0x0];
	vm11 =	vgt.f32 v16, v4;
	v1 =	vsel vm10, v16, v1  }
0x33: {  	v1 =	vsel vm11, v4, v1  }
0x34: {  	s30 =	sor.u32 $0x1280, s14;
	v4 =	vsel vm11, v16, v4;
	vm12 =	vgt.f32 v3, v1  }
0x35: {  	v20 =	vld [tilespmem:s30+$0x0];
	vm13 =	vgt.f32 v3, v4;
	v1 =	vsel vm12, v3, v1  }
0x36: {  	v1 =	vsel vm13, v4, v1  }
0x37: {  	s30 =	sor.u32 $0x1300, s14;
	v3 =	vsel vm13, v3, v4;
	vm14 =	vgt.f32 v19, v1  }
0x38: {  	v22 =	vld [tilespmem:s30+$0x0];
	vm15 =	vgt.f32 v19, v3;
	v1 =	vsel vm14, v19, v1  }
0x39: {  	v1 =	vsel vm15, v3, v1  }
0x3a: {  	s30 =	sor.u32 $0x1380, s19;
	v3 =	vsel vm15, v19, v3;
	vm4 =	vgt.f32 v20, v1  }
0x3b: {  	v23 =	vld [tilespmem:s30+$0x0];
	vm5 =	vgt.f32 v20, v3;
	v1 =	vsel vm4, v20, v1  }
0x3c: {  	v2 =	vsel vm8, $0x9, v2;
	v18 =	vsel vm9, $0x9, v17;
	v1 =	vsel vm5, v3, v1  }
0x3d: {  	v2 =	vsel vm9, v17, v2;
	v3 =	vsel vm5, v20, v3;
	vm6 =	vgt.f32 v22, v1  }
0x3e: {  	v2 =	vsel vm10, $0xA, v2;
	vm7 =	vgt.f32 v22, v3;
	v1 =	vsel vm6, v22, v1  }
0x3f: {  	v5 =	vsel vm11, $0xA, v18;
	v2 =	vsel vm11, v18, v2;
	v1 =	vsel vm7, v3, v1  }
0x40: {  	v2 =	vsel vm12, $0xB, v2;
	v3 =	vsel vm7, v22, v3;
	vm8 =	vgt.f32 v23, v1  }
0x41: {  	v21 =	vsel vm13, $0xB, v5;
	vm1 =	vgt.f32 v23, v3;
	v1 =	vsel vm8, v23, v1  }
0x42: {  	v2 =	vsel vm13, v5, v2;
	v5 =	vsel vm1, v3, v1;
	v3 =	vsel vm1, v23, v3  }
0x43: {  	v3 =	vsub.f32 v5, v3;
	_ =	sdelay $0x1  }
0x44: {  	v2 =	vsel vm14, $0xC, v2;
	v3 =	vmul.f32 $1.442695020e+00, v3  }
0x45: {  	v25 =	vimm.s32 $0x0;
	v26 =	vimm.s32 $0x0;
	v2 =	vsel vm15, v21, v2  }
0x46: {  	v4 =	vsel vm15, $0xC, v21;
	v2 =	vsel vm4, $0xD, v2;
	(erf) = vpow2.f32 v3  }
0x47: {  	v27 =	vimm.s32 $0x0;
	v28 =	vimm.s32 $0x0;
	v2 =	vsel vm5, v4, v2  }
0x48: {  	v29 =	vimm.s32 $0x0;
	v4 =	vsel vm5, $0xD, v4;
	v2 =	vsel vm6, $0xE, v2  }
0x49: {  	v30 =	vimm.s32 $0x0;
	v31 =	vimm.s32 $0x0;
	v2 =	vsel vm7, v4, v2  }
0x4a: {  	v32 =	vimm.s32 $0x0;
	v4 =	vsel vm7, $0xE, v4;
	v2 =	vsel vm8, $0xF, v2  }
0x4b: {  	v33 =	vimm.s32 $0x0;
	v1 =	vsel vm1, v4, v2;
	v2 =	vsel vm1, $0xF, v4  }
0x4c: {  	v34 =	vimm.s32 $0x0;
	v35 =	vimm.s32 $0x0;
	vm9 =	veq.s32 v2, $0xE  }
0x4d: {  	v36 =	vimm.s32 $0x0;
	vm10 =	veq.s32 v1, $0xF;
	v4 =	vsel vm9, $0xFFFFFFFF, v25  }
0x4e: {  	v37 =	vimm.s32 $0x0;
	vm11 =	veq.s32 v2, $0xC;
	[tilespmem:$0x1FFE0] =	vst v4;
	v4 =	vsel vm10, $0xFFFFFFFF, v26  }
0x4f: {  	v38 =	vimm.s32 $0x0;
	vm12 =	veq.s32 v2, $0xD;
	[tilespmem:$0x1FFF0] =	vst v4;
	v4 =	vsel vm11, $0xFFFFFFFF, v27;
	v3 =	vpop (erf)  }
0x50: {  	vm13 =	veq.s32 v1, $0xE;
	[tilespmem:$0x1FFC0] =	vst v4;
	v4 =	vsel vm12, $0xFFFFFFFF, v28;
	v24 =	vadd.f32 $1.000000000e+00, v3  }
0x51: {  	v39 =	vimm.s32 $0x0;
	vm14 =	veq.s32 v2, $0xB;
	[tilespmem:$0x1FFD0] =	vst v4;
	v4 =	vsel vm13, $0xFFFFFFFF, v29  }
0x52: {  	vm15 =	veq.s32 v1, $0xC;
	[tilespmem:$0x1FFB0] =	vst v4;
	v4 =	vsel vm14, $0xFFFFFFFF, v30;
	(erf) = vrcp.f32 v24  }
0x53: {  	vm4 =	veq.s32 v1, $0xD;
	vm5 =	veq.s32 v2, $0x9;
	[tilespmem:$0x1FF80] =	vst v4;
	v4 =	vsel vm15, $0xFFFFFFFF, v31  }
0x54: {  	vm6 =	veq.s32 v2, $0xA;
	vm7 =	veq.s32 v1, $0xB;
	[tilespmem:$0x1FF90] =	vst v4;
	v4 =	vsel vm4, $0xFFFFFFFF, v32  }
0x55: {  	vm8 =	veq.s32 v2, $0x8;
	vm3 =	veq.s32 v2, $0x1;
	[tilespmem:$0x1FFA0] =	vst v4;
	v4 =	vsel vm5, $0xFFFFFFFF, v33  }
0x56: {  	vm0 =	veq.s32 v1, $0x0;
	vm1 =	veq.s32 v1, $0x1;
	[tilespmem:$0x1FF60] =	vst v4;
	v4 =	vsel vm6, $0xFFFFFFFF, v34  }
0x57: {  	vm2 =	veq.s32 v1, $0x2;
	vm9 =	veq.s32 v1, $0x9;
	[tilespmem:$0x1FF70] =	vst v4;
	v4 =	vsel vm7, $0xFFFFFFFF, v35  }
0x58: {  	vm10 =	veq.s32 v1, $0xA;
	vm11 =	veq.s32 v2, $0x6;
	[tilespmem:$0x1FF50] =	vst v4;
	v4 =	vsel vm8, $0xFFFFFFFF, v36  }
0x59: {  	vm12 =	veq.s32 v1, $0x6;
	vm13 =	veq.s32 v1, $0x7;
	v57 =	vld [tilespmem:$0x1FF80];
	[tilespmem:$0x1FF20] =	vst v4;
	v4 =	vsel vm9, $0xFFFFFFFF, v37  }
0x5a: {  	vm14 =	veq.s32 v1, $0x8;
	vm15 =	veq.s32 v2, $0x7;
	v58 =	vld [tilespmem:$0x1FF90];
	[tilespmem:$0x1FF30] =	vst v4;
	v4 =	vsel vm10, $0xFFFFFFFF, v38  }
0x5b: {  	vm4 =	veq.s32 v2, $0x0;
	vm5 =	veq.s32 v2, $0x2;
	v59 =	vld [tilespmem:$0x1FFA0];
	[tilespmem:$0x1FF40] =	vst v4;
	v4 =	vsel vm11, $0xFFFFFFFF, v39;
	v40 =	vpop (erf)  }
0x5c: {  	vm6 =	veq.s32 v1, $0x4;
	vm7 =	veq.s32 v1, $0x3;
	v52 =	vld [tilespmem:$0x1FF20];
	[tilespmem:$0x1FF10] =	vst v4;
	v3 =	vmul.f32 v40, v3  }
0x5d: {  	vm8 =	veq.s32 v1, $0x5;
	vm9 =	veq.s32 v2, $0x4;
	vm10 =	veq.s32 v2, $0x3;
	v50 =	vld [tilespmem:$0x1FF10]  }
0x5e: {  	vm11 =	veq.s32 v2, $0x5;
	v53 =	vld [tilespmem:$0x1FF30];
	v41 =	vnsel vm0, $0x0, v3;
	v43 =	vnsel vm2, $0x0, v3  }
0x5f: {  	v56 =	vld [tilespmem:$0x1FF70];
	v42 =	vnsel vm1, $0x0, v3;
	v44 =	vnsel vm7, $0x0, v3;
	v7 =	vsel vm5, v40, v43  }
0x60: {  	v11 =	vld [tilespmem:$0x1FF50];
	v8 =	vnsel vm6, $0x0, v3;
	v9 =	vnsel vm8, $0x0, v3;
	v5 =	vsel vm4, v40, v41;
	[tilespmem:s14+$0x2100] =	vst v7  }
0x61: {  	v54 =	vld [tilespmem:$0x1FF40];
	v48 =	vnsel vm12, $0x0, v3;
	v49 =	vnsel vm13, $0x0, v3;
	v6 =	vsel vm3, v40, v42;
	[tilespmem:s14+$0x2000] =	vst v5  }
0x62: {  	v55 =	vld [tilespmem:$0x1FF60];
	v10 =	vnsel vm14, $0x0, v3;
	vm12 =	vnez.u8 v50;
	v45 =	vsel vm10, v40, v44;
	[tilespmem:s14+$0x2080] =	vst v6  }
0x63: {  	v12 =	vld [tilespmem:$0x1FFB0];
	vm13 =	vnez.u8 v52;
	vm14 =	vnez.u8 v53;
	v46 =	vsel vm9, v40, v8;
	[tilespmem:s18+$0x2000] =	vst v45  }
0x64: {  	v60 =	vld [tilespmem:$0x1FFC0];
	vm6 =	vnez.u8 v56;
	vm7 =	vnez.u8 v57;
	v47 =	vsel vm11, v40, v9;
	[tilespmem:s14+$0x2200] =	vst v46  }
0x65: {  	v61 =	vld [tilespmem:$0x1FFD0];
	vm8 =	vnez.u8 v58;
	v51 =	vsel vm15, v40, v49;
	v5 =	vsel vm12, v40, v48;
	[tilespmem:s14+$0x2280] =	vst v47  }
0x66: {  	v62 =	vld [tilespmem:$0x1FFE0];
	v9 =	vsel vm13, v40, v10;
	vm15 =	vnez.u8 v54;
	vm4 =	vnez.u8 v11;
	[tilespmem:s14+$0x2300] =	vst v5  }
0x67: {  	v63 =	vld [tilespmem:$0x1FFF0];
	vm5 =	vnez.u8 v55;
	vm9 =	vnez.u8 v59;
	v7 =	vnsel vm14, $0x0, v3;
	[tilespmem:s17+$0x2000] =	vst v51  }
0x68: {  	vm10 =	vnez.u8 v12;
	v10 =	vnsel vm15, $0x0, v3;
	v7 =	vsel vm5, v40, v7;
	[tilespmem:s14+$0x3000] =	vst v9  }
0x69: {  	vm11 =	vnez.u8 v60;
	v11 =	vnsel vm4, $0x0, v3;
	v8 =	vsel vm6, v40, v10;
	[tilespmem:s14+$0x3080] =	vst v7  }
0x6a: {  	s28 =	smov.u32 s20;
	vm12 =	vnez.u8 v61;
	v10 =	vsel vm7, v40, v11;
	v11 =	vnsel vm9, $0x0, v3;
	[tilespmem:s14+$0x3100] =	vst v8  }
0x6b: {  	s21 =	sadd.s32 $0x10, s21;
	s25 =	sand.u32 $0x7FFFFC00, s28;
	s28 =	sand.u32 $0xFFFFFC00, s28;
	vm13 =	vnez.u8 v62;
	v12 =	vnsel vm10, $0x0, v3;
	v6 =	vsel vm12, v40, v11;
	[tilespmem:s16+$0x2000] =	vst v10  }
0x6c: {  	s31 =	sadd.s32 s28, s21;
	vm15 =	vnez.u8 v63;
	v5 =	vnsel vm8, $0x0, v3;
	v11 =	vsel vm13, v40, v12;
	[tilespmem:s14+$0x3280] =	vst v6  }
0x6d: {  	p0 =	sne.s32 s20, $0xF80;
	s24 =	sand.u32 $0x70, s21;
	s19 =	smov.u32 s31;
	vm14 =	veq.s32 v2, $0xF;
	v3 =	vnsel vm15, $0x0, v3;
	v5 =	vsel vm11, v40, v5;
	[tilespmem:s14+$0x3300] =	vst v11  }
0x6e: {  	s28 =	sor.u32 $0x180, s31;
	s29 =	sor.u32 $0x380, s31;
	s31 =	sor.u32 $0x1180, s19;
	v3 =	vsel vm14, v40, v3;
	[tilespmem:s14+$0x3200] =	vst v5  }
.Ltmp0:
0x6f: {  	s16 =	smov.u32 s31;
	s31 =	sor.u32 s13, s15;
	[tilespmem:s30+$0x2000] =	vst v3;
	(pc) =	sbr.rel @p0 .LBB2_2-.Ltmp0, $4  }
0x70: {  	s26 =	sor.u32 s24, s25;
	[tilespmem:s31+$0x4000] =	vst v2  }
0x71: {  	s20 =	sadd.s32 $0x80, s20;
	s25 =	sshrl.u32 s25, $0x2;
	s14 =	smov.u32 s26;
	[tilespmem:s31+$0x4080] =	vst v1  }
0x72: {  	s23 =	sor.u32 $0x1000, s26;
	s22 =	sor.u32 $0x1080, s26;
	s18 =	smov.u32 s28;
	v2 =	vld [tilespmem:s14+$0x0]  }
0x73: {  	s17 =	smov.u32 s29;
	s13 =	smov.u32 s24;
	s15 =	smov.u32 s25;
	v1 =	vld [tilespmem:s14+$0x80]  }
0x74: {  	_ =	sdelay $0x2  }
0x75: {  	v3 =	vld [tilespmem:s14+$0x100];
	vm0 =	vgt.f32 v2, $-Inf  }
0x76: {  	v2 =	vnsel vm0, $0xFF800000, v2;
	vm15 =	vlt.f32 v1, $-Inf;
	vm1 =	vgt.f32 v1, $-Inf  }
0x77: {  	v4 =	vimm.s32 $0x0;
	vm2 =	vgt.f32 v1, v2;
	vm12 =	vmor vm1, vm15  }
0x78: {  	v4 =	vsel vm2, $0xFFFFFFFF, v4;
	vm14 =	vmneg vm2;
	v24 =	vnsel vm12, $0xFF800000, v1  }
0x79: {  	v5 =	vld [tilespmem:s18+$0x0];
	[tilespmem:$0x1FE30] =	vst v4;
	v4 =	vsel vm14, v24, v2  }
0x7a: {  	v1 =	vsel vm14, v2, v1;
	v2 =	vimm.s32 $0x0;
	vm4 =	vgt.f32 v3, v4  }
0x7b: {  	v2 =	vsel vm4, $0xFFFFFFFF, v2  }
0x7c: {  	vm10 =	vgt.f32 v3, v1;
	[tilespmem:$0x1FE40] =	vst v2;
	v2 =	vsel vm4, v3, v4  }
0x7d: {  	v25 =	vld [tilespmem:s14+$0x200];
	v2 =	vsel vm10, v1, v2  }
0x7e: {  	v1 =	vsel vm10, v3, v1;
	v3 =	vimm.s32 $0x0;
	vm5 =	vgt.f32 v5, v2  }
0x7f: {  	v3 =	vsel vm5, $0xFFFFFFFF, v3  }
0x80: {  	vm8 =	vgt.f32 v5, v1;
	v2 =	vsel vm5, v5, v2;
	[tilespmem:$0x1FE50] =	vst v3;
	v3 =	vld [tilespmem:s14+$0x280]  }
0x81: {  	v2 =	vsel vm8, v1, v2  }
0x82: {  	v1 =	vsel vm8, v5, v1;
	vm13 =	vgt.f32 v25, v2  }
0x83: {  	v27 =	vld [tilespmem:s14+$0x300];
	vm7 =	vgt.f32 v25, v1;
	v2 =	vsel vm13, v25, v2  }
0x84: {  	v2 =	vsel vm7, v1, v2  }
0x85: {  	v1 =	vsel vm7, v25, v1;
	vm15 =	vgt.f32 v3, v2  }
0x86: {  	vm9 =	vgt.f32 v3, v1;
	v2 =	vsel vm15, v3, v2  }
0x87: {  	v29 =	vld [tilespmem:s17+$0x0];
	v2 =	vsel vm9, v1, v2  }
0x88: {  	v1 =	vsel vm9, v3, v1;
	v3 =	vimm.s32 $0x0;
	vm4 =	vgt.f32 v27, v2  }
0x89: {  	v3 =	vsel vm4, $0xFFFFFFFF, v3  }
0x8a: {  	vm11 =	vgt.f32 v27, v1;
	v2 =	vsel vm4, v27, v2;
	[tilespmem:$0x1FE80] =	vst v3;
	v3 =	vld [tilespmem:s23+$0x0]  }
0x8b: {  	v2 =	vsel vm11, v1, v2  }
0x8c: {  	v26 =	vimm.s32 $0x0;
	v1 =	vsel vm11, v27, v1;
	vm5 =	vgt.f32 v29, v2  }
0x8d: {  	v31 =	vld [tilespmem:s22+$0x0];
	v5 =	vsel vm13, $0xFFFFFFFF, v26;
	vm13 =	vgt.f32 v29, v1;
	v2 =	vsel vm5, v29, v2  }
0x8e: {  	v28 =	vimm.s32 $0x0;
	v32 =	vimm.s32 $0x0;
	v2 =	vsel vm13, v1, v2  }
0x8f: {  	v4 =	vsel vm15, $0xFFFFFFFF, v28;
	v1 =	vsel vm13, v29, v1;
	vm6 =	vgt.f32 v3, v2  }
0x90: {  	s20 =	sor.u32 $0x1100, s14;
	[tilespmem:$0x1FE70] =	vst v4;
	v4 =	vsel vm6, $0xFFFFFFFF, v32;
	v2 =	vsel vm6, v3, v2;
	vm6 =	vgt.f32 v3, v1  }
0x91: {  	v33 =	vld [tilespmem:s20+$0x0];
	v2 =	vsel vm6, v1, v2  }
0x92: {  	v1 =	vsel vm6, v3, v1;
	v3 =	vimm.s32 $0x0;
	vm15 =	vgt.f32 v31, v2  }
0x93: {  	v30 =	vimm.s32 $0x0;
	[tilespmem:$0x1FE60] =	vst v5;
	v3 =	vsel vm15, $0xFFFFFFFF, v3  }
0x94: {  	v5 =	vsel vm5, $0xFFFFFFFF, v30;
	vm5 =	vgt.f32 v31, v1;
	v2 =	vsel vm15, v31, v2;
	[tilespmem:$0x1FEB0] =	vst v3;
	v3 =	vld [tilespmem:s16+$0x0]  }
0x95: {  	v2 =	vsel vm5, v1, v2  }
0x96: {  	s29 =	sor.u32 $0x1200, s14;
	v34 =	vimm.s32 $0x0;
	v1 =	vsel vm5, v31, v1;
	vm4 =	vgt.f32 v33, v2  }
0x97: {  	v35 =	vld [tilespmem:s29+$0x0];
	[tilespmem:$0x1FE90] =	vst v5;
	v5 =	vsel vm4, $0xFFFFFFFF, v34;
	v2 =	vsel vm4, v33, v2;
	vm4 =	vgt.f32 v33, v1  }
0x98: {  	v2 =	vsel vm4, v1, v2  }
0x99: {  	v1 =	vsel vm4, v33, v1;
	vm15 =	vgt.f32 v3, v2  }
0x9a: {  	s30 =	sor.u32 $0x1280, s14;
	v36 =	vimm.s32 $0x0;
	vm3 =	vgt.f32 v3, v1;
	v2 =	vsel vm15, v3, v2  }
0x9b: {  	v37 =	vld [tilespmem:s30+$0x0];
	[tilespmem:$0x1FEA0] =	vst v4;
	v4 =	vsel vm15, $0xFFFFFFFF, v36;
	v2 =	vsel vm3, v1, v2  }
0x9c: {  	v1 =	vsel vm3, v3, v1;
	v3 =	vimm.s32 $0x0;
	vm15 =	vgt.f32 v35, v2  }
0x9d: {  	s31 =	sor.u32 $0x1300, s14;
	v3 =	vsel vm15, $0xFFFFFFFF, v3  }
0x9e: {  	vm2 =	vgt.f32 v35, v1;
	v2 =	vsel vm15, v35, v2;
	[tilespmem:$0x1FEE0] =	vst v3;
	v3 =	vld [tilespmem:s31+$0x0]  }
0x9f: {  	v2 =	vsel vm2, v1, v2  }
0xa0: {  	v1 =	vsel vm2, v35, v1;
	vm15 =	vgt.f32 v37, v2  }
0xa1: {  	vm1 =	vgt.f32 v37, v1;
	v2 =	vsel vm15, v37, v2  }
0xa2: {  	s19 =	sor.u32 $0x1380, s19;
	v38 =	vimm.s32 $0x0;
	v2 =	vsel vm1, v1, v2  }
0xa3: {  	v39 =	vld [tilespmem:s19+$0x0];
	[tilespmem:$0x1FEC0] =	vst v5;
	v5 =	vsel vm15, $0xFFFFFFFF, v38;
	v1 =	vsel vm1, v37, v1;
	vm15 =	vgt.f32 v3, v2  }
0xa4: {  	v6 =	vld [tilespmem:$0x1FE40];
	vm0 =	vgt.f32 v3, v1;
	v2 =	vsel vm15, v3, v2  }
0xa5: {  	v2 =	vsel vm0, v1, v2;
	v1 =	vsel vm0, v3, v1;
	v3 =	vld [tilespmem:$0x1FE30];
	_ =	sdelay $0x2  }
0xa6: {  	v40 =	vimm.s32 $0x0;
	vm12 =	vmand vm12, vm14  }
0xa7: {  	v41 =	vsel vm12, $0x1, v0;
	[tilespmem:$0x1FED0] =	vst v4;
	v4 =	vsel vm15, $0xFFFFFFFF, v40  }
0xa8: {  	vm15 =	vnez.u8 v6;
	vm12 =	vgt.f32 v39, v2;
	vm14 =	vnez.u8 v3  }
0xa9: {  	v2 =	vsel vm12, v39, v2;
	v3 =	vsel vm14, $0x1, v0;
	vm14 =	vgt.f32 v39, v1  }
0xaa: {  	[tilespmem:$0x1FF00] =	vst v4;
	v4 =	vsel vm15, $0x2, v41;
	v2 =	vsel vm14, v1, v2;
	v1 =	vsel vm14, v39, v1  }
0xab: {  	v4 =	vsel vm10, v3, v4;
	v1 =	vsub.f32 v2, v1;
	v2 =	vsel vm10, $0x2, v3;
	v3 =	vld [tilespmem:$0x1FE50];
	_ =	sdelay $0x1  }
0xac: {  	v42 =	vld [tilespmem:$0x1FE60];
	v1 =	vmul.f32 $1.442695020e+00, v1;
	_ =	sdelay $0x1  }
0xad: {  	(erf) = vpow2.f32 v1;
	v1 =	vld [tilespmem:$0x1FE70]  }
0xae: {  	vm15 =	vnez.u8 v3  }
0xaf: {  	v3 =	vsel vm15, $0x3, v4  }
0xb0: {  	vm15 =	vnez.u8 v42;
	v3 =	vsel vm8, v2, v3  }
0xb1: {  	v2 =	vsel vm8, $0x3, v2;
	v3 =	vsel vm15, $0x4, v3  }
0xb2: {  	v3 =	vsel vm7, v2, v3;
	vm15 =	vnez.u8 v1  }
0xb3: {  	v1 =	vsel vm15, $0x5, v3;
	v3 =	vld [tilespmem:$0x1FE80];
	_ =	sdelay $0x4  }
0xb4: {  	vm10 =	vnez.u8 v3;
	v3 =	vld [tilespmem:$0x1FE90];
	_ =	sdelay $0x4  }
0xb5: {  	vm15 =	vnez.u8 v3;
	v3 =	vld [tilespmem:$0x1FEA0];
	_ =	sdelay $0x2  }
0xb6: {  	v2 =	vsel vm7, $0x4, v2  }
0xb7: {  	v1 =	vsel vm9, v2, v1  }
0xb8: {  	v2 =	vsel vm9, $0x5, v2;
	v1 =	vsel vm10, $0x6, v1;
	vm9 =	vnez.u8 v3;
	v3 =	vld [tilespmem:$0x1FEB0]  }
0xb9: {  	v1 =	vsel vm11, v2, v1  }
0xba: {  	v44 =	vld [tilespmem:$0x1FEC0];
	v2 =	vsel vm11, $0x6, v2;
	v1 =	vsel vm15, $0x7, v1  }
0xbb: {  	v1 =	vsel vm13, v2, v1  }
0xbc: {  	v45 =	vld [tilespmem:$0x1FED0];
	v2 =	vsel vm13, $0x7, v2;
	v1 =	vsel vm9, $0x8, v1  }
0xbd: {  	v1 =	vsel vm6, v2, v1;
	vm10 =	vnez.u8 v3  }
0xbe: {  	v46 =	vld [tilespmem:$0x1FEE0];
	v2 =	vsel vm6, $0x8, v2;
	v3 =	vpop (erf);
	v1 =	vsel vm10, $0x9, v1  }
0xbf: {  	[tilespmem:$0x1FEF0] =	vst v5;
	vm11 =	vnez.u8 v44;
	v43 =	vadd.f32 $1.000000000e+00, v3;
	v1 =	vsel vm5, v2, v1  }
0xc0: {  	v47 =	vld [tilespmem:$0x1FEF0];
	v2 =	vsel vm5, $0x9, v2;
	v1 =	vsel vm11, $0xA, v1  }
0xc1: {  	vm13 =	vnez.u8 v45;
	(erf) = vrcp.f32 v43;
	v1 =	vsel vm4, v2, v1  }
0xc2: {  	v48 =	vld [tilespmem:$0x1FF00];
	v2 =	vsel vm4, $0xA, v2;
	v1 =	vsel vm13, $0xB, v1  }
0xc3: {  	vm15 =	vnez.u8 v46;
	v1 =	vsel vm3, v2, v1  }
0xc4: {  	v2 =	vsel vm3, $0xB, v2;
	v1 =	vsel vm15, $0xC, v1  }
0xc5: {  	vm6 =	vnez.u8 v47;
	v1 =	vsel vm2, v2, v1  }
0xc6: {  	v2 =	vsel vm2, $0xC, v2;
	v1 =	vsel vm6, $0xD, v1  }
0xc7: {  	vm7 =	vnez.u8 v48;
	v1 =	vsel vm1, v2, v1  }
0xc8: {  	v2 =	vsel vm1, $0xD, v2;
	v1 =	vsel vm7, $0xE, v1  }
0xc9: {  	v1 =	vsel vm0, v2, v1  }
0xca: {  	v2 =	vsel vm0, $0xE, v2;
	v49 =	vpop (erf);
	v1 =	vsel vm12, $0xF, v1  }
0xcb: {  	v3 =	vmul.f32 v49, v3;
	v1 =	vsel vm14, v2, v1;
	v2 =	vsel vm14, $0xF, v2  }
0xcc: {  	vm8 =	veq.s32 v1, $0x0;
	vm9 =	veq.s32 v1, $0x1;
	vm10 =	veq.s32 v2, $0x0  }
0xcd: {  	vm11 =	veq.s32 v1, $0x2;
	vm12 =	veq.s32 v2, $0x1;
	vm13 =	veq.s32 v2, $0x2  }
0xce: {  	vm14 =	veq.s32 v1, $0x3;
	vm15 =	veq.s32 v1, $0x4;
	vm4 =	veq.s32 v2, $0x3  }
0xcf: {  	vm5 =	veq.s32 v1, $0x5;
	vm6 =	veq.s32 v2, $0x4;
	vm7 =	veq.s32 v2, $0x5  }
0xd0: {  	v50 =	vnsel vm8, $0x0, v3;
	v51 =	vnsel vm9, $0x0, v3;
	v7 =	vnsel vm11, $0x0, v3  }
0xd1: {  	v8 =	vnsel vm14, $0x0, v3;
	v9 =	vnsel vm15, $0x0, v3;
	v10 =	vnsel vm5, $0x0, v3  }
0xd2: {  	vm8 =	veq.s32 v1, $0x6;
	vm9 =	veq.s32 v1, $0x7;
	v7 =	vsel vm13, v49, v7  }
0xd3: {  	vm11 =	veq.s32 v1, $0x8;
	vm14 =	veq.s32 v1, $0x9;
	v5 =	vsel vm10, v49, v50;
	[tilespmem:s14+$0x2100] =	vst v7  }
0xd4: {  	vm15 =	veq.s32 v1, $0xA;
	vm5 =	veq.s32 v1, $0xB;
	v6 =	vsel vm12, v49, v51;
	[tilespmem:s14+$0x2000] =	vst v5  }
0xd5: {  	v8 =	vsel vm4, v49, v8;
	v9 =	vsel vm6, v49, v9;
	v52 =	vsel vm7, v49, v10;
	[tilespmem:s14+$0x2080] =	vst v6  }
0xd6: {  	v53 =	vnsel vm8, $0x0, v3;
	vm10 =	veq.s32 v2, $0x6;
	v54 =	vnsel vm9, $0x0, v3;
	[tilespmem:s18+$0x2000] =	vst v8  }
0xd7: {  	v55 =	vnsel vm11, $0x0, v3;
	vm12 =	veq.s32 v2, $0x7;
	vm13 =	veq.s32 v2, $0x8;
	[tilespmem:s14+$0x2200] =	vst v9  }
0xd8: {  	v57 =	vnsel vm14, $0x0, v3;
	vm4 =	veq.s32 v2, $0x9;
	v5 =	vsel vm10, v49, v53;
	[tilespmem:s14+$0x2280] =	vst v52  }
0xd9: {  	v58 =	vnsel vm15, $0x0, v3;
	v59 =	vnsel vm5, $0x0, v3;
	v56 =	vsel vm12, v49, v54;
	[tilespmem:s14+$0x2300] =	vst v5  }
0xda: {  	vm6 =	veq.s32 v2, $0xA;
	vm7 =	veq.s32 v2, $0xB;
	v6 =	vsel vm13, v49, v55;
	[tilespmem:s17+$0x2000] =	vst v56  }
0xdb: {  	vm8 =	veq.s32 v1, $0xC;
	vm9 =	veq.s32 v1, $0xD;
	v9 =	vsel vm4, v49, v57;
	[tilespmem:s14+$0x3000] =	vst v6  }
0xdc: {  	vm11 =	veq.s32 v1, $0xE;
	vm14 =	veq.s32 v2, $0xC;
	v7 =	vsel vm6, v49, v58;
	[tilespmem:s14+$0x3080] =	vst v9  }
0xdd: {  	vm10 =	veq.s32 v2, $0xD;
	v61 =	vnsel vm9, $0x0, v3;
	v5 =	vsel vm7, v49, v59;
	[tilespmem:s14+$0x3100] =	vst v7  }
0xde: {  	v62 =	vnsel vm11, $0x0, v3;
	vm12 =	veq.s32 v2, $0xE;
	v8 =	vsel vm10, v49, v61;
	[tilespmem:s16+$0x2000] =	vst v5  }
0xdf: {  	v60 =	vnsel vm8, $0x0, v3;
	vm13 =	veq.s32 v1, $0xF;
	v63 =	vsel vm12, v49, v62;
	[tilespmem:s14+$0x3280] =	vst v8  }
0xe0: {  	vm15 =	veq.s32 v2, $0xF;
	v3 =	vnsel vm13, $0x0, v3;
	v6 =	vsel vm14, v49, v60;
	[tilespmem:s14+$0x3300] =	vst v63  }
0xe1: {  	v3 =	vsel vm15, v49, v3;
	[tilespmem:s14+$0x3200] =	vst v6  }
0xe2: {  	s13 =	sor.u32 s13, s15;
	[tilespmem:s19+$0x2000] =	vst v3  }
0xe3: {  	[tilespmem:s13+$0x4000] =	vst v2  }
0xe4: {  	[tilespmem:s13+$0x4080] =	vst v1  }
0xe5: {  	[hbm4b:s4+s7] =	stream.strided.scatter [tilespmem:s10], [sflag:$0x1], $0x2000, s8, s7, $0x38;
	[tilespmem:$0x4400] =	vst v63  }
0xe6: {  	s12 =	sadd.s32 $0x1, s12;
	_ =	swait.ge [sflag:s9], $0x2000  }
0xe7: {  	p0 =	sne.s32 s12, s6;
	[sflag:s9] =	ssyncset.done $0x0  }
.Ltmp1:
0xe8: {  	[sflag:s9] =	ssyncadd.s32 $0xFFFFE000;
	(pc) =	sbr.rel @p0 .LBB2_1-.Ltmp1, $4  }
0xe9: {  	[hbm4b:s5+s2] =	stream.linear.scatter [tilespmem:s11], [sflag:$0x1], $0x400, $0x38;
	[tilespmem:$0x4400] =	vst v63  }
0xea: {  	_ =	swait.ge [sflag:s9], $0x400  }
0xeb: {  	[sflag:s9] =	ssyncset.done $0x0  }
0xec: {  	[sflag:s9] =	ssyncadd.s32 $0xFFFFFC00  }
0xed: {  	_ =	sfence.sel $0x180000  }
0xee: {  	[bflag:$0x0] =	sbarrier.arrive $0xFFFF  }
0xef: {  	p0 =	sne.s32 s1, $0x0;
	_ =	strace $0x90000047  }
0xf0: {  	s0 =	sadd.s32 @!p0 $0x100000, s0;
	[bflag:$0x2] =	sbarrier.arrive $0xFFFF  }
0xf1: {  	[sflag:s0] =	ssyncadd.tile.s32 @!p0 $0x1;
	_ =	shalt  }
.Lfunc_end2:
_tile_overlayer_lowered:
.L_overlay_start_2:
0xf2: {  	(tag) =	ssettag $0x2  }
0xf3: {  	s0 =	rddreg [dreg:$0x0];
	s2 =	stileid.u32  }
0xf4: {  	s1 =	rddreg [dreg:$0x1];
	p0 =	sne.s32 s2, $0x0  }
0xf5: {  	s3 =	rddreg [dreg:$0x2];
	[bflag:$0x3] =	sbarrier.arrive $0xFFFF;
	s2 =	simm.s32 @!p0 $0x1C01  }
0xf6: {  	[timem:s3], [sflag:s2] =	dma.local @!p0 [hbm:s0], s1  }
0xf7: {  	s0 =	simm.s32 @!p0 $0x1  }
0xf8: {  	_ =	swait.ge @!p0 [sflag:s0], s1  }
0xf9: {  	s1 =	ssub.s32 @!p0 $0x0, s1;
	[sflag:s0] =	ssyncset.done @!p0 $0x0  }
0xfa: {  	[sflag:s0] =	ssyncadd.s32 @!p0 s1  }
0xfb: {  	[bflag:$0x3] =	sbarrier.arrive $0xFFFF  }
0xfc: {  	_ =	shalt  }

</sc_bundles>
